<compile_context>
chip_gen: v7x
topology: tpu7x:2x2x1
jax: 0.10.2.dev20260603
libtpu: 0.0.44.dev20260713+nightly
codegen_flags: <defaults>
</compile_context>

<pallas_src>
import functools

import jax
import jax.numpy as jnp
from jax import lax
from jax.experimental import pallas as pl
from jax.experimental.pallas import tpu as pltpu
from jax.experimental.pallas import tpu_sc as plsc

VOCAB = 1000000
D = 32
NBATCH = 16384
H = 200
NUM_WORKERS = 32
NPW = NBATCH // NUM_WORKERS
SH = 40
NSTRIPES = H // SH
OUT_WORDS = NBATCH * H * D

_mesh = plsc.VectorSubcoreMesh(core_axis_name="c", subcore_axis_name="s")


@functools.partial(
    pl.kernel,
    mesh=_mesh,
    out_type=jax.ShapeDtypeStruct((OUT_WORDS,), jnp.float32),
    scratch_types=[
        pltpu.VMEM((NPW, SH), jnp.int32),
        pltpu.VMEM((SH, NPW), jnp.int32),
        pltpu.VMEM((NPW, D), jnp.float32),
        pltpu.VMEM((NPW, D), jnp.float32),
        pltpu.VMEM((NPW * D,), jnp.float32),
        pltpu.VMEM((NPW * D,), jnp.float32),
        pltpu.SemaphoreType.DMA,
        pltpu.SemaphoreType.DMA,
        pltpu.SemaphoreType.DMA,
        pltpu.SemaphoreType.DMA,
    ],
    compiler_params=pltpu.CompilerParams(
        use_tc_tiling_on_sc=False, needs_layout_passes=False),
)
def _gather_to_tiles(idx2d, table, out, stripe_in, idx_t, r0, r1, t0, t1,
                     gs0, gs1, ws0, ws1):
    wid = lax.axis_index("s") * 2 + lax.axis_index("c")
    n0 = wid * NPW
    lane = lax.iota(jnp.int32, 16)

    rbufs, gsems = (r0, r1), (gs0, gs1)
    tbufs, wsems = (t0, t1), (ws0, ws1)

    dpat = []
    for half in range(2):
        c = 16 * half + lane
        dpat.append((c // 8) * 4096 + (c % 8) * 128)

    def start_gather(hh, b):
        pltpu.async_copy(table.at[idx_t.at[hh]], rbufs[b], gsems[b])

    def wait_gather(b):
        pltpu.make_async_copy(table.at[idx_t.at[0]], rbufs[b],
                              gsems[b]).wait()

    def transpose_rows(b):
        rbuf, tbuf = rbufs[b], tbufs[b]

        @plsc.parallel_loop(0, NPW, step=1, unroll=16)
        def _(j):
            base = ((j >> 7) << 10) + (j & 127)
            for half in range(2):
                v = rbuf[j, pl.ds(16 * half, 16)]
                plsc.store_scatter(tbuf, [dpat[half] + base], v)

    def start_write(h, b):
        for cb in range(4):
            off = ((h * 4 + cb) * 128 + (n0 // 128)) * 1024
            pltpu.async_copy(tbufs[b].at[pl.ds(cb * 4096, 4096)],
                             out.at[pl.ds(off, 4096)], wsems[b])

    def wait_write(b):
        for cb in range(4):
            pltpu.make_async_copy(tbufs[b].at[pl.ds(cb * 4096, 4096)],
                                  out.at[pl.ds(0, 4096)], wsems[b]).wait()

    def load_stripe(s):
        pltpu.sync_copy(idx2d.at[pl.ds(n0, NPW), pl.ds(s * SH, SH)],
                        stripe_in)
        @plsc.parallel_loop(0, NPW * SH // 16, step=1, unroll=8)
        def _(g):
            pos = jnp.int32(16) * g + lane
            jj = pos // SH
            hh = pos - jj * SH
            v = plsc.load_gather(stripe_in, [jj, hh])
            plsc.store_scatter(idx_t, [hh, jj], v)

    def do_stripe(s, carry):
        load_stripe(s)
        start_gather(0, 0)

        def pair(p, c2):
            for q in range(2):
                hh = p * 2 + q
                b = q
                wait_gather(b)

                @pl.when(hh + 1 < SH)
                def _():
                    start_gather(hh + 1, 1 - b)

                @pl.when(p > 0)
                def _():
                    wait_write(b)
                transpose_rows(b)
                start_write(s * SH + hh, b)
            return c2

        lax.fori_loop(0, SH // 2, pair, 0)
        wait_write(0)
        wait_write(1)
        return carry

    lax.fori_loop(0, NSTRIPES, do_stripe, 0)


def kernel(token_ids, table):
    idx2d = token_ids.astype(jnp.int32)
    flat = _gather_to_tiles(idx2d, table)
    out5 = flat.reshape(H, 4, 128, 8, 128)
    return out5.transpose(2, 4, 0, 1, 3).reshape(NBATCH, H, D)

# --- scband reference (transcript-rebuilt; emitter-appended) ---
"""Pipeline reference for scband-token-embedder-3169685864713 (READ-ONLY COPY).

The authoritative reference and input builder live on the scoring server;
editing this copy changes nothing except your own understanding.
"""

import jax, jax.numpy as jnp
import numpy as np

VOCAB = 1000000
EMBED_DIM = 32
BATCH = 16384
HIST = 200


def setup_inputs(seed: int = 0) -> dict:
    key = jax.random.key(seed)
    k_idx, k_tab = jax.random.split(key)
    token_ids = jax.random.randint(k_idx, (BATCH, HIST), 0, VOCAB, dtype=jnp.int64 if jax.config.jax_enable_x64 else jnp.int32)
    # nn.Embedding weight initialized uniform_(-0.1, 0.1); padding row overwritten by the uniform_
    table = jax.random.uniform(k_tab, (VOCAB, EMBED_DIM), minval=-0.1, maxval=0.1, dtype=jnp.float32)
    return {"token_ids": token_ids, "table": table}


def reference(token_ids, table):
    # TokenEmbedder.forward: embedding lookup (gather rows of the table)
    return jnp.take(table, token_ids, axis=0)

if __name__ == "__main__":
    import jax
    _d = setup_inputs()
    print(jax.jit(kernel)(*tuple(_d.values())))

</pallas_src>

<mosaic_0001>
#map = affine_map<(d0, d1) -> (0, 0)>
#map1 = affine_map<(d0, d1) -> (0)>
module attributes {stable_mosaic.version = 14 : i64} {
  func.func @_gather_to_tiles(%arg0: i32, %arg1: i32, %arg2: memref<16384x200xi32, #tpu.memory_space<hbm>>, %arg3: memref<1000000x32xf32, #tpu.memory_space<hbm>>, %arg4: memref<104857600xf32, #tpu.memory_space<hbm>>, %arg5: memref<512x40xi32, #tpu.memory_space<vmem>>, %arg6: memref<40x512xi32, #tpu.memory_space<vmem>>, %arg7: memref<512x32xf32, #tpu.memory_space<vmem>>, %arg8: memref<512x32xf32, #tpu.memory_space<vmem>>, %arg9: memref<16384xf32, #tpu.memory_space<vmem>>, %arg10: memref<16384xf32, #tpu.memory_space<vmem>>, %arg11: memref<!tpu.dma_semaphore, #tpu.memory_space<semaphore_mem>>, %arg12: memref<!tpu.dma_semaphore, #tpu.memory_space<semaphore_mem>>, %arg13: memref<!tpu.dma_semaphore, #tpu.memory_space<semaphore_mem>>, %arg14: memref<!tpu.dma_semaphore, #tpu.memory_space<semaphore_mem>>) attributes {dimension_semantics = [#tpu.dimension_semantics<core_parallel>, #tpu.dimension_semantics<subcore_parallel>], iteration_bounds = array<i64: 2, 16>, scalar_prefetch = 0 : i64, scratch_operands = 10 : i64, tpu.core_type = #tpu.core_type<sc_vector_subcore>, window_params = [{transform_indices = #map}, {transform_indices = #map}, {transform_indices = #map1}]} {
    %mul3A = arith.constant 2 : i32
    %mul3A_0 = arith.muli %arg1, %mul3A : i32
    %add3A = arith.addi %mul3A_0, %arg0 : i32
    %mul3A_1 = arith.constant 512 : i32
    %mul3A_2 = arith.muli %add3A, %mul3A_1 : i32
    %iota3A = tpu.iota {dimensions = array<i32: 0>} : vector<16xi32>
    %add3A_3 = arith.constant 0 : i32
    %add3A_4 = vector.broadcast %add3A_3 : i32 to vector<16xi32>
    %add3A_5 = arith.addi %add3A_4, %iota3A : vector<16xi32>
    %jit3A = arith.constant 8 : i32
    %div3A = vector.broadcast %jit3A : i32 to vector<16xi32>
    %div3A_6 = arith.divsi %add3A_5, %div3A : vector<16xi32>
    %sign3A = arith.constant 0 : i32
    %sign3A_7 = vector.broadcast %sign3A : i32 to vector<16xi32>
    %sign3A_8 = arith.cmpi sgt, %add3A_5, %sign3A_7 : vector<16xi32>
    %sign3A_9 = arith.extui %sign3A_8 : vector<16xi1> to vector<16xi32>
    %sign3A_10 = arith.constant 0 : i32
    %sign3A_11 = vector.broadcast %sign3A_10 : i32 to vector<16xi32>
    %sign3A_12 = arith.cmpi slt, %add3A_5, %sign3A_11 : vector<16xi32>
    %sign3A_13 = arith.extui %sign3A_12 : vector<16xi1> to vector<16xi32>
    %sign3A_14 = arith.subi %sign3A_9, %sign3A_13 : vector<16xi32>
    %sign3A_15 = arith.constant 0 : i32
    %sign3A_16 = arith.cmpi sgt, %jit3A, %sign3A_15 : i32
    %sign3A_17 = arith.extui %sign3A_16 : i1 to i32
    %sign3A_18 = arith.constant 0 : i32
    %sign3A_19 = arith.cmpi slt, %jit3A, %sign3A_18 : i32
    %sign3A_20 = arith.extui %sign3A_19 : i1 to i32
    %sign3A_21 = arith.subi %sign3A_17, %sign3A_20 : i32
    %ne3A = vector.broadcast %sign3A_21 : i32 to vector<16xi32>
    %ne3A_22 = arith.cmpi ne, %sign3A_14, %ne3A : vector<16xi32>
    %rem3A = vector.broadcast %jit3A : i32 to vector<16xi32>
    %rem3A_23 = arith.remsi %add3A_5, %rem3A : vector<16xi32>
    %ne3A_24 = arith.constant 0 : i32
    %ne3A_25 = vector.broadcast %ne3A_24 : i32 to vector<16xi32>
    %ne3A_26 = arith.cmpi ne, %rem3A_23, %ne3A_25 : vector<16xi32>
    %and3A = arith.andi %ne3A_22, %ne3A_26 : vector<16xi1>
    %sub3A = arith.constant 1 : i32
    %sub3A_27 = vector.broadcast %sub3A : i32 to vector<16xi32>
    %sub3A_28 = arith.subi %div3A_6, %sub3A_27 : vector<16xi32>
    %select_n3A = arith.select %and3A, %sub3A_28, %div3A_6 : vector<16xi1>, vector<16xi32>
    %mul3A_29 = arith.constant 4096 : i32
    %mul3A_30 = vector.broadcast %mul3A_29 : i32 to vector<16xi32>
    %mul3A_31 = arith.muli %select_n3A, %mul3A_30 : vector<16xi32>
    %jit3A_32 = arith.constant 8 : i32
    %eq3A = arith.constant 0 : i32
    %eq3A_33 = arith.cmpi eq, %jit3A_32, %eq3A : i32
    %jit3A_34 = arith.constant 1 : i32
    %select_n3A_35 = arith.select %eq3A_33, %jit3A_34, %jit3A_32 : i32
    %rem3A_36 = vector.broadcast %select_n3A_35 : i32 to vector<16xi32>
    %rem3A_37 = arith.remsi %add3A_5, %rem3A_36 : vector<16xi32>
    %ne3A_38 = arith.constant 0 : i32
    %ne3A_39 = vector.broadcast %ne3A_38 : i32 to vector<16xi32>
    %ne3A_40 = arith.cmpi ne, %rem3A_37, %ne3A_39 : vector<16xi32>
    %lt3A = arith.constant 0 : i32
    %lt3A_41 = vector.broadcast %lt3A : i32 to vector<16xi32>
    %lt3A_42 = arith.cmpi slt, %rem3A_37, %lt3A_41 : vector<16xi32>
    %lt3A_43 = arith.constant 0 : i32
    %lt3A_44 = arith.cmpi slt, %select_n3A_35, %lt3A_43 : i32
    %ne3A_45 = vector.broadcast %lt3A_44 : i1 to vector<16xi1>
    %ne3A_46 = vector.broadcast %ne3A_45 : vector<16xi1> to vector<16xi1>
    %ne3A_47 = arith.xori %lt3A_42, %ne3A_46 : vector<16xi1>
    %and3A_48 = arith.andi %ne3A_47, %ne3A_40 : vector<16xi1>
    %add3A_49 = vector.broadcast %select_n3A_35 : i32 to vector<16xi32>
    %add3A_50 = arith.addi %rem3A_37, %add3A_49 : vector<16xi32>
    %select_n3A_51 = arith.select %and3A_48, %add3A_50, %rem3A_37 : vector<16xi1>, vector<16xi32>
    %mul3A_52 = arith.constant 128 : i32
    %mul3A_53 = vector.broadcast %mul3A_52 : i32 to vector<16xi32>
    %mul3A_54 = arith.muli %select_n3A_51, %mul3A_53 : vector<16xi32>
    %add3A_55 = arith.addi %mul3A_31, %mul3A_54 : vector<16xi32>
    %add3A_56 = arith.constant 16 : i32
    %add3A_57 = vector.broadcast %add3A_56 : i32 to vector<16xi32>
    %add3A_58 = arith.addi %add3A_57, %iota3A : vector<16xi32>
    %jit3A_59 = arith.constant 8 : i32
    %div3A_60 = vector.broadcast %jit3A_59 : i32 to vector<16xi32>
    %div3A_61 = arith.divsi %add3A_58, %div3A_60 : vector<16xi32>
    %sign3A_62 = arith.constant 0 : i32
    %sign3A_63 = vector.broadcast %sign3A_62 : i32 to vector<16xi32>
    %sign3A_64 = arith.cmpi sgt, %add3A_58, %sign3A_63 : vector<16xi32>
    %sign3A_65 = arith.extui %sign3A_64 : vector<16xi1> to vector<16xi32>
    %sign3A_66 = arith.constant 0 : i32
    %sign3A_67 = vector.broadcast %sign3A_66 : i32 to vector<16xi32>
    %sign3A_68 = arith.cmpi slt, %add3A_58, %sign3A_67 : vector<16xi32>
    %sign3A_69 = arith.extui %sign3A_68 : vector<16xi1> to vector<16xi32>
    %sign3A_70 = arith.subi %sign3A_65, %sign3A_69 : vector<16xi32>
    %sign3A_71 = arith.constant 0 : i32
    %sign3A_72 = arith.cmpi sgt, %jit3A_59, %sign3A_71 : i32
    %sign3A_73 = arith.extui %sign3A_72 : i1 to i32
    %sign3A_74 = arith.constant 0 : i32
    %sign3A_75 = arith.cmpi slt, %jit3A_59, %sign3A_74 : i32
    %sign3A_76 = arith.extui %sign3A_75 : i1 to i32
    %sign3A_77 = arith.subi %sign3A_73, %sign3A_76 : i32
    %ne3A_78 = vector.broadcast %sign3A_77 : i32 to vector<16xi32>
    %ne3A_79 = arith.cmpi ne, %sign3A_70, %ne3A_78 : vector<16xi32>
    %rem3A_80 = vector.broadcast %jit3A_59 : i32 to vector<16xi32>
    %rem3A_81 = arith.remsi %add3A_58, %rem3A_80 : vector<16xi32>
    %ne3A_82 = arith.constant 0 : i32
    %ne3A_83 = vector.broadcast %ne3A_82 : i32 to vector<16xi32>
    %ne3A_84 = arith.cmpi ne, %rem3A_81, %ne3A_83 : vector<16xi32>
    %and3A_85 = arith.andi %ne3A_79, %ne3A_84 : vector<16xi1>
    %sub3A_86 = arith.constant 1 : i32
    %sub3A_87 = vector.broadcast %sub3A_86 : i32 to vector<16xi32>
    %sub3A_88 = arith.subi %div3A_61, %sub3A_87 : vector<16xi32>
    %select_n3A_89 = arith.select %and3A_85, %sub3A_88, %div3A_61 : vector<16xi1>, vector<16xi32>
    %mul3A_90 = arith.constant 4096 : i32
    %mul3A_91 = vector.broadcast %mul3A_90 : i32 to vector<16xi32>
    %mul3A_92 = arith.muli %select_n3A_89, %mul3A_91 : vector<16xi32>
    %jit3A_93 = arith.constant 8 : i32
    %eq3A_94 = arith.constant 0 : i32
    %eq3A_95 = arith.cmpi eq, %jit3A_93, %eq3A_94 : i32
    %jit3A_96 = arith.constant 1 : i32
    %select_n3A_97 = arith.select %eq3A_95, %jit3A_96, %jit3A_93 : i32
    %rem3A_98 = vector.broadcast %select_n3A_97 : i32 to vector<16xi32>
    %rem3A_99 = arith.remsi %add3A_58, %rem3A_98 : vector<16xi32>
    %ne3A_100 = arith.constant 0 : i32
    %ne3A_101 = vector.broadcast %ne3A_100 : i32 to vector<16xi32>
    %ne3A_102 = arith.cmpi ne, %rem3A_99, %ne3A_101 : vector<16xi32>
    %lt3A_103 = arith.constant 0 : i32
    %lt3A_104 = vector.broadcast %lt3A_103 : i32 to vector<16xi32>
    %lt3A_105 = arith.cmpi slt, %rem3A_99, %lt3A_104 : vector<16xi32>
    %lt3A_106 = arith.constant 0 : i32
    %lt3A_107 = arith.cmpi slt, %select_n3A_97, %lt3A_106 : i32
    %ne3A_108 = vector.broadcast %lt3A_107 : i1 to vector<16xi1>
    %ne3A_109 = vector.broadcast %ne3A_108 : vector<16xi1> to vector<16xi1>
    %ne3A_110 = arith.xori %lt3A_105, %ne3A_109 : vector<16xi1>
    %and3A_111 = arith.andi %ne3A_110, %ne3A_102 : vector<16xi1>
    %add3A_112 = vector.broadcast %select_n3A_97 : i32 to vector<16xi32>
    %add3A_113 = arith.addi %rem3A_99, %add3A_112 : vector<16xi32>
    %select_n3A_114 = arith.select %and3A_111, %add3A_113, %rem3A_99 : vector<16xi1>, vector<16xi32>
    %mul3A_115 = arith.constant 128 : i32
    %mul3A_116 = vector.broadcast %mul3A_115 : i32 to vector<16xi32>
    %mul3A_117 = arith.muli %select_n3A_114, %mul3A_116 : vector<16xi32>
    %add3A_118 = arith.addi %mul3A_92, %mul3A_117 : vector<16xi32>
    %scan3A = arith.constant 0 : i32
    %scan3A_119 = arith.constant 0 : i32
    %scan3A_120 = arith.constant 5 : i32
    %scan3A_121 = arith.addi %scan3A_119, %scan3A_120 : i32
    %scan3A_122 = arith.constant 1 : i32
    scf.for %scan3A_124 = %scan3A_119 to %scan3A_121 step %scan3A_122  : i32 {
      %mul3A_125 = arith.constant 40 : i32
      %mul3A_126 = arith.muli %scan3A_124, %mul3A_125 : i32
      "tpu.region"() ({
        %run_scoped3A = tpu.sem_alloc : memref<!tpu.dma_semaphore, #tpu.memory_space<semaphore_mem>>
        %dma_start3A_204 = tpu.memref_slice %arg2[%mul3A_2, %mul3A_126] : memref<16384x200xi32, #tpu.memory_space<hbm>> -> memref<512x40xi32, #tpu.memory_space<hbm>>
        %dma_start3A_205 = tpu.memref_slice %arg2[%mul3A_2, %mul3A_126] : memref<16384x200xi32, #tpu.memory_space<hbm>> -> memref<512x40xi32, #tpu.memory_space<hbm>>
        tpu.enqueue_dma source(%dma_start3A_205 : memref<512x40xi32, #tpu.memory_space<hbm>>) target(%arg5 : memref<512x40xi32, #tpu.memory_space<vmem>>) target_semaphore(%run_scoped3A : memref<!tpu.dma_semaphore, #tpu.memory_space<semaphore_mem>>)
        %dma_wait3A_206 = tpu.memref_slice %arg2[%mul3A_2, %mul3A_126] : memref<16384x200xi32, #tpu.memory_space<hbm>> -> memref<512x40xi32, #tpu.memory_space<hbm>>
        %dma_wait3A_207 = tpu.memref_slice %arg2[%mul3A_2, %mul3A_126] : memref<16384x200xi32, #tpu.memory_space<hbm>> -> memref<512x40xi32, #tpu.memory_space<hbm>>
        tpu.wait_dma2 semaphore(%run_scoped3A : memref<!tpu.dma_semaphore, #tpu.memory_space<semaphore_mem>>) src(%dma_wait3A_207 : memref<512x40xi32, #tpu.memory_space<hbm>>) dst(%arg5 : memref<512x40xi32, #tpu.memory_space<vmem>>)
        tpu.yield
      }) : () -> ()
      %parallel_loop3A = arith.constant 0 : i32
      %parallel_loop3A_127 = arith.constant 1280 : i32
      %parallel_loop3A_128 = arith.constant 1 : i32
      scf.for %parallel_loop3A_204 = %parallel_loop3A to %parallel_loop3A_127 step %parallel_loop3A_128  : i32 {
        %parallel_loop3A_205 = arith.constant 16 : i32
        %parallel_loop3A_206 = arith.muli %parallel_loop3A_205, %parallel_loop3A_204 : i32
        %parallel_loop3A_207 = vector.broadcast %parallel_loop3A_206 : i32 to vector<16xi32>
        %parallel_loop3A_208 = arith.addi %parallel_loop3A_207, %iota3A : vector<16xi32>
        %parallel_loop3A_209 = arith.constant 40 : i32
        %parallel_loop3A_210 = vector.broadcast %parallel_loop3A_209 : i32 to vector<16xi32>
        %parallel_loop3A_211 = arith.divsi %parallel_loop3A_208, %parallel_loop3A_210 : vector<16xi32>
        %parallel_loop3A_212 = arith.constant 0 : i32
        %parallel_loop3A_213 = vector.broadcast %parallel_loop3A_212 : i32 to vector<16xi32>
        %parallel_loop3A_214 = arith.cmpi sgt, %parallel_loop3A_208, %parallel_loop3A_213 : vector<16xi32>
        %parallel_loop3A_215 = arith.extui %parallel_loop3A_214 : vector<16xi1> to vector<16xi32>
        %parallel_loop3A_216 = arith.constant 0 : i32
        %parallel_loop3A_217 = vector.broadcast %parallel_loop3A_216 : i32 to vector<16xi32>
        %parallel_loop3A_218 = arith.cmpi slt, %parallel_loop3A_208, %parallel_loop3A_217 : vector<16xi32>
        %parallel_loop3A_219 = arith.extui %parallel_loop3A_218 : vector<16xi1> to vector<16xi32>
        %parallel_loop3A_220 = arith.subi %parallel_loop3A_215, %parallel_loop3A_219 : vector<16xi32>
        %parallel_loop3A_221 = arith.constant 0 : i32
        %parallel_loop3A_222 = arith.cmpi sgt, %parallel_loop3A_209, %parallel_loop3A_221 : i32
        %parallel_loop3A_223 = arith.extui %parallel_loop3A_222 : i1 to i32
        %parallel_loop3A_224 = arith.constant 0 : i32
        %parallel_loop3A_225 = arith.cmpi slt, %parallel_loop3A_209, %parallel_loop3A_224 : i32
        %parallel_loop3A_226 = arith.extui %parallel_loop3A_225 : i1 to i32
        %parallel_loop3A_227 = arith.subi %parallel_loop3A_223, %parallel_loop3A_226 : i32
        %parallel_loop3A_228 = vector.broadcast %parallel_loop3A_227 : i32 to vector<16xi32>
        %parallel_loop3A_229 = arith.cmpi ne, %parallel_loop3A_220, %parallel_loop3A_228 : vector<16xi32>
        %parallel_loop3A_230 = vector.broadcast %parallel_loop3A_209 : i32 to vector<16xi32>
        %parallel_loop3A_231 = arith.remsi %parallel_loop3A_208, %parallel_loop3A_230 : vector<16xi32>
        %parallel_loop3A_232 = arith.constant 0 : i32
        %parallel_loop3A_233 = vector.broadcast %parallel_loop3A_232 : i32 to vector<16xi32>
        %parallel_loop3A_234 = arith.cmpi ne, %parallel_loop3A_231, %parallel_loop3A_233 : vector<16xi32>
        %parallel_loop3A_235 = arith.andi %parallel_loop3A_229, %parallel_loop3A_234 : vector<16xi1>
        %parallel_loop3A_236 = arith.constant 1 : i32
        %parallel_loop3A_237 = vector.broadcast %parallel_loop3A_236 : i32 to vector<16xi32>
        %parallel_loop3A_238 = arith.subi %parallel_loop3A_211, %parallel_loop3A_237 : vector<16xi32>
        %parallel_loop3A_239 = arith.select %parallel_loop3A_235, %parallel_loop3A_238, %parallel_loop3A_211 : vector<16xi1>, vector<16xi32>
        %parallel_loop3A_240 = arith.constant 40 : i32
        %parallel_loop3A_241 = vector.broadcast %parallel_loop3A_240 : i32 to vector<16xi32>
        %parallel_loop3A_242 = arith.muli %parallel_loop3A_239, %parallel_loop3A_241 : vector<16xi32>
        %parallel_loop3A_243 = arith.subi %parallel_loop3A_208, %parallel_loop3A_242 : vector<16xi32>
        %parallel_loop3A_244 = tpu.vector_load_idx %arg5[%parallel_loop3A_239, %parallel_loop3A_243] : memref<512x40xi32, #tpu.memory_space<vmem>>[vector<16xi32>, vector<16xi32>], vector<16xi32>,
        tpu.vector_store_idx %arg6[%parallel_loop3A_243, %parallel_loop3A_239], %parallel_loop3A_244 : memref<40x512xi32, #tpu.memory_space<vmem>>[vector<16xi32>, vector<16xi32>], vector<16xi32>,
      } {sc.loop_unroll_factor = 8 : i64, sc.parallel_access}
      %dma_start3A = arith.constant 0 : i32
      %dma_start3A_129 = arith.constant 0 : i32
      %dma_start3A_130 = tpu.memref_slice %arg6[%dma_start3A, %dma_start3A_129] : memref<40x512xi32, #tpu.memory_space<vmem>> -> memref<1x512xi32, #tpu.memory_space<vmem>>
      %dma_start3A_131 = tpu.memref_squeeze %dma_start3A_130 : memref<1x512xi32, #tpu.memory_space<vmem>> -> memref<512xi32, #tpu.memory_space<vmem>>
      %dma_start3A_132 = arith.constant 0 : i32
      %dma_start3A_133 = arith.constant 0 : i32
      %dma_start3A_134 = tpu.memref_slice %arg3[%dma_start3A_132, %dma_start3A_133] : memref<1000000x32xf32, #tpu.memory_space<hbm>> -> memref<1000000x32xf32, #tpu.memory_space<hbm>>
      tpu.enqueue_indirect_dma source(%dma_start3A_134 : memref<1000000x32xf32, #tpu.memory_space<hbm>>) target(%arg7 : memref<512x32xf32, #tpu.memory_space<vmem>>) offsets(%dma_start3A_131 : memref<512xi32, #tpu.memory_space<vmem>>) semaphore(%arg11 : memref<!tpu.dma_semaphore, #tpu.memory_space<semaphore_mem>>)
      %scan3A_135 = arith.constant 0 : i32
      %scan3A_136 = arith.constant 0 : i32
      %scan3A_137 = arith.constant 20 : i32
      %scan3A_138 = arith.addi %scan3A_136, %scan3A_137 : i32
      %scan3A_139 = arith.constant 1 : i32
      scf.for %scan3A_204 = %scan3A_136 to %scan3A_138 step %scan3A_139  : i32 {
        %mul3A_205 = arith.constant 2 : i32
        %mul3A_206 = arith.muli %scan3A_204, %mul3A_205 : i32
        %add3A_207 = arith.constant 0 : i32
        %add3A_208 = arith.addi %mul3A_206, %add3A_207 : i32
        %dma_wait3A_209 = arith.constant 0 : i32
        %dma_wait3A_210 = arith.constant 0 : i32
        %dma_wait3A_211 = tpu.memref_slice %arg6[%dma_wait3A_209, %dma_wait3A_210] : memref<40x512xi32, #tpu.memory_space<vmem>> -> memref<1x512xi32, #tpu.memory_space<vmem>>
        %dma_wait3A_212 = tpu.memref_squeeze %dma_wait3A_211 : memref<1x512xi32, #tpu.memory_space<vmem>> -> memref<512xi32, #tpu.memory_space<vmem>>
        %dma_wait3A_213 = arith.constant 0 : i32
        %dma_wait3A_214 = arith.constant 0 : i32
        %dma_wait3A_215 = tpu.memref_slice %arg3[%dma_wait3A_213, %dma_wait3A_214] : memref<1000000x32xf32, #tpu.memory_space<hbm>> -> memref<1000000x32xf32, #tpu.memory_space<hbm>>
        tpu.wait_indirect_dma semaphore(%arg11 : memref<!tpu.dma_semaphore, #tpu.memory_space<semaphore_mem>>) src(%dma_wait3A_215 : memref<1000000x32xf32, #tpu.memory_space<hbm>>) dst(%arg7 : memref<512x32xf32, #tpu.memory_space<vmem>>)
        %add3A_216 = arith.constant 1 : i32
        %add3A_217 = arith.addi %add3A_208, %add3A_216 : i32
        %lt3A_218 = arith.constant 40 : i32
        %lt3A_219 = arith.cmpi slt, %add3A_217, %lt3A_218 : i32
        %convert_element_type3A = arith.extui %lt3A_219 : i1 to i32
        %cond3A = arith.constant 0 : i32
        %cond3A_220 = arith.cmpi ne, %convert_element_type3A, %cond3A : i32
        scf.if %cond3A_220 {
          %add3A_572 = arith.constant 1 : i32
          %add3A_573 = arith.addi %add3A_208, %add3A_572 : i32
          %dma_start3A_574 = arith.constant 0 : i32
          %dma_start3A_575 = tpu.memref_slice %arg6[%add3A_573, %dma_start3A_574] : memref<40x512xi32, #tpu.memory_space<vmem>> -> memref<1x512xi32, #tpu.memory_space<vmem>>
          %dma_start3A_576 = tpu.memref_squeeze %dma_start3A_575 : memref<1x512xi32, #tpu.memory_space<vmem>> -> memref<512xi32, #tpu.memory_space<vmem>>
          %dma_start3A_577 = arith.constant 0 : i32
          %dma_start3A_578 = arith.constant 0 : i32
          %dma_start3A_579 = tpu.memref_slice %arg3[%dma_start3A_577, %dma_start3A_578] : memref<1000000x32xf32, #tpu.memory_space<hbm>> -> memref<1000000x32xf32, #tpu.memory_space<hbm>>
          tpu.enqueue_indirect_dma source(%dma_start3A_579 : memref<1000000x32xf32, #tpu.memory_space<hbm>>) target(%arg8 : memref<512x32xf32, #tpu.memory_space<vmem>>) offsets(%dma_start3A_576 : memref<512xi32, #tpu.memory_space<vmem>>) semaphore(%arg12 : memref<!tpu.dma_semaphore, #tpu.memory_space<semaphore_mem>>)
        } else {
        }
        %gt3A = arith.constant 0 : i32
        %gt3A_221 = arith.cmpi sgt, %scan3A_204, %gt3A : i32
        %convert_element_type3A_222 = arith.extui %gt3A_221 : i1 to i32
        %cond3A_223 = arith.constant 0 : i32
        %cond3A_224 = arith.cmpi ne, %convert_element_type3A_222, %cond3A_223 : i32
        scf.if %cond3A_224 {
          %dma_wait3A_572 = arith.constant 0 : i32
          %dma_wait3A_573 = tpu.memref_slice %arg9[%dma_wait3A_572] : memref<16384xf32, #tpu.memory_space<vmem>> -> memref<4096xf32, #tpu.memory_space<vmem>>
          %dma_wait3A_574 = arith.constant 0 : i32
          %dma_wait3A_575 = tpu.memref_slice %arg4[%dma_wait3A_574] : memref<104857600xf32, #tpu.memory_space<hbm>> -> memref<4096xf32, #tpu.memory_space<hbm>>
          %dma_wait3A_576 = arith.constant 0 : i32
          %dma_wait3A_577 = tpu.memref_slice %arg4[%dma_wait3A_576] : memref<104857600xf32, #tpu.memory_space<hbm>> -> memref<4096xf32, #tpu.memory_space<hbm>>
          %dma_wait3A_578 = arith.constant 0 : i32
          %dma_wait3A_579 = tpu.memref_slice %arg9[%dma_wait3A_578] : memref<16384xf32, #tpu.memory_space<vmem>> -> memref<4096xf32, #tpu.memory_space<vmem>>
          tpu.wait_dma2 semaphore(%arg13 : memref<!tpu.dma_semaphore, #tpu.memory_space<semaphore_mem>>) src(%dma_wait3A_579 : memref<4096xf32, #tpu.memory_space<vmem>>) dst(%dma_wait3A_577 : memref<4096xf32, #tpu.memory_space<hbm>>)
          %dma_wait3A_580 = arith.constant 4096 : i32
          %dma_wait3A_581 = tpu.memref_slice %arg9[%dma_wait3A_580] : memref<16384xf32, #tpu.memory_space<vmem>> -> memref<4096xf32, #tpu.memory_space<vmem>>
          %dma_wait3A_582 = arith.constant 0 : i32
          %dma_wait3A_583 = tpu.memref_slice %arg4[%dma_wait3A_582] : memref<104857600xf32, #tpu.memory_space<hbm>> -> memref<4096xf32, #tpu.memory_space<hbm>>
          %dma_wait3A_584 = arith.constant 0 : i32
          %dma_wait3A_585 = tpu.memref_slice %arg4[%dma_wait3A_584] : memref<104857600xf32, #tpu.memory_space<hbm>> -> memref<4096xf32, #tpu.memory_space<hbm>>
          %dma_wait3A_586 = arith.constant 4096 : i32
          %dma_wait3A_587 = tpu.memref_slice %arg9[%dma_wait3A_586] : memref<16384xf32, #tpu.memory_space<vmem>> -> memref<4096xf32, #tpu.memory_space<vmem>>
          tpu.wait_dma2 semaphore(%arg13 : memref<!tpu.dma_semaphore, #tpu.memory_space<semaphore_mem>>) src(%dma_wait3A_587 : memref<4096xf32, #tpu.memory_space<vmem>>) dst(%dma_wait3A_585 : memref<4096xf32, #tpu.memory_space<hbm>>)
          %dma_wait3A_588 = arith.constant 8192 : i32
          %dma_wait3A_589 = tpu.memref_slice %arg9[%dma_wait3A_588] : memref<16384xf32, #tpu.memory_space<vmem>> -> memref<4096xf32, #tpu.memory_space<vmem>>
          %dma_wait3A_590 = arith.constant 0 : i32
          %dma_wait3A_591 = tpu.memref_slice %arg4[%dma_wait3A_590] : memref<104857600xf32, #tpu.memory_space<hbm>> -> memref<4096xf32, #tpu.memory_space<hbm>>
          %dma_wait3A_592 = arith.constant 0 : i32
          %dma_wait3A_593 = tpu.memref_slice %arg4[%dma_wait3A_592] : memref<104857600xf32, #tpu.memory_space<hbm>> -> memref<4096xf32, #tpu.memory_space<hbm>>
          %dma_wait3A_594 = arith.constant 8192 : i32
          %dma_wait3A_595 = tpu.memref_slice %arg9[%dma_wait3A_594] : memref<16384xf32, #tpu.memory_space<vmem>> -> memref<4096xf32, #tpu.memory_space<vmem>>
          tpu.wait_dma2 semaphore(%arg13 : memref<!tpu.dma_semaphore, #tpu.memory_space<semaphore_mem>>) src(%dma_wait3A_595 : memref<4096xf32, #tpu.memory_space<vmem>>) dst(%dma_wait3A_593 : memref<4096xf32, #tpu.memory_space<hbm>>)
          %dma_wait3A_596 = arith.constant 12288 : i32
          %dma_wait3A_597 = tpu.memref_slice %arg9[%dma_wait3A_596] : memref<16384xf32, #tpu.memory_space<vmem>> -> memref<4096xf32, #tpu.memory_space<vmem>>
          %dma_wait3A_598 = arith.constant 0 : i32
          %dma_wait3A_599 = tpu.memref_slice %arg4[%dma_wait3A_598] : memref<104857600xf32, #tpu.memory_space<hbm>> -> memref<4096xf32, #tpu.memory_space<hbm>>
          %dma_wait3A_600 = arith.constant 0 : i32
          %dma_wait3A_601 = tpu.memref_slice %arg4[%dma_wait3A_600] : memref<104857600xf32, #tpu.memory_space<hbm>> -> memref<4096xf32, #tpu.memory_space<hbm>>
          %dma_wait3A_602 = arith.constant 12288 : i32
          %dma_wait3A_603 = tpu.memref_slice %arg9[%dma_wait3A_602] : memref<16384xf32, #tpu.memory_space<vmem>> -> memref<4096xf32, #tpu.memory_space<vmem>>
          tpu.wait_dma2 semaphore(%arg13 : memref<!tpu.dma_semaphore, #tpu.memory_space<semaphore_mem>>) src(%dma_wait3A_603 : memref<4096xf32, #tpu.memory_space<vmem>>) dst(%dma_wait3A_601 : memref<4096xf32, #tpu.memory_space<hbm>>)
        } else {
        }
        %parallel_loop3A_225 = arith.constant 0 : i32
        %parallel_loop3A_226 = arith.constant 512 : i32
        %parallel_loop3A_227 = arith.constant 1 : i32
        scf.for %parallel_loop3A_572 = %parallel_loop3A_225 to %parallel_loop3A_226 step %parallel_loop3A_227  : i32 {
          %parallel_loop3A_573 = arith.constant 7 : i32
          %parallel_loop3A_574 = arith.shrsi %parallel_loop3A_572, %parallel_loop3A_573 : i32
          %parallel_loop3A_575 = arith.constant 10 : i32
          %parallel_loop3A_576 = arith.shli %parallel_loop3A_574, %parallel_loop3A_575 : i32
          %parallel_loop3A_577 = arith.constant 127 : i32
          %parallel_loop3A_578 = arith.andi %parallel_loop3A_572, %parallel_loop3A_577 : i32
          %parallel_loop3A_579 = arith.addi %parallel_loop3A_576, %parallel_loop3A_578 : i32
          %parallel_loop3A_580 = arith.index_cast %parallel_loop3A_572 : i32 to index
          %parallel_loop3A_581 = arith.constant 0 : index
          %parallel_loop3A_582 = tpu.vector_load %arg7[%parallel_loop3A_580, %parallel_loop3A_581] {strides = array<i32>} : memref<512x32xf32, #tpu.memory_space<vmem>>, vector<16xf32>,
          %parallel_loop3A_583 = vector.broadcast %parallel_loop3A_579 : i32 to vector<16xi32>
          %parallel_loop3A_584 = arith.addi %add3A_55, %parallel_loop3A_583 : vector<16xi32>
          tpu.vector_store_idx %arg9[%parallel_loop3A_584], %parallel_loop3A_582 : memref<16384xf32, #tpu.memory_space<vmem>>[vector<16xi32>], vector<16xf32>,
          %parallel_loop3A_585 = arith.index_cast %parallel_loop3A_572 : i32 to index
          %parallel_loop3A_586 = arith.constant 16 : index
          %parallel_loop3A_587 = tpu.vector_load %arg7[%parallel_loop3A_585, %parallel_loop3A_586] {strides = array<i32>} : memref<512x32xf32, #tpu.memory_space<vmem>>, vector<16xf32>,
          %parallel_loop3A_588 = vector.broadcast %parallel_loop3A_579 : i32 to vector<16xi32>
          %parallel_loop3A_589 = arith.addi %add3A_118, %parallel_loop3A_588 : vector<16xi32>
          tpu.vector_store_idx %arg9[%parallel_loop3A_589], %parallel_loop3A_587 : memref<16384xf32, #tpu.memory_space<vmem>>[vector<16xi32>], vector<16xf32>,
        } {sc.loop_unroll_factor = 16 : i64, sc.parallel_access}
        %mul3A_228 = arith.constant 40 : i32
        %mul3A_229 = arith.muli %scan3A_124, %mul3A_228 : i32
        %add3A_230 = arith.addi %mul3A_229, %add3A_208 : i32
        %mul3A_231 = arith.constant 4 : i32
        %mul3A_232 = arith.muli %add3A_230, %mul3A_231 : i32
        %add3A_233 = arith.constant 0 : i32
        %add3A_234 = arith.addi %mul3A_232, %add3A_233 : i32
        %mul3A_235 = arith.constant 128 : i32
        %mul3A_236 = arith.muli %add3A_234, %mul3A_235 : i32
        %jit3A_237 = arith.constant 128 : i32
        %div3A_238 = arith.divsi %mul3A_2, %jit3A_237 : i32
        %sign3A_239 = arith.constant 0 : i32
        %sign3A_240 = arith.cmpi sgt, %mul3A_2, %sign3A_239 : i32
        %sign3A_241 = arith.extui %sign3A_240 : i1 to i32
        %sign3A_242 = arith.constant 0 : i32
        %sign3A_243 = arith.cmpi slt, %mul3A_2, %sign3A_242 : i32
        %sign3A_244 = arith.extui %sign3A_243 : i1 to i32
        %sign3A_245 = arith.subi %sign3A_241, %sign3A_244 : i32
        %sign3A_246 = arith.constant 0 : i32
        %sign3A_247 = arith.cmpi sgt, %jit3A_237, %sign3A_246 : i32
        %sign3A_248 = arith.extui %sign3A_247 : i1 to i32
        %sign3A_249 = arith.constant 0 : i32
        %sign3A_250 = arith.cmpi slt, %jit3A_237, %sign3A_249 : i32
        %sign3A_251 = arith.extui %sign3A_250 : i1 to i32
        %sign3A_252 = arith.subi %sign3A_248, %sign3A_251 : i32
        %ne3A_253 = arith.cmpi ne, %sign3A_245, %sign3A_252 : i32
        %rem3A_254 = arith.remsi %mul3A_2, %jit3A_237 : i32
        %ne3A_255 = arith.constant 0 : i32
        %ne3A_256 = arith.cmpi ne, %rem3A_254, %ne3A_255 : i32
        %and3A_257 = arith.andi %ne3A_253, %ne3A_256 : i1
        %sub3A_258 = arith.constant 1 : i32
        %sub3A_259 = arith.subi %div3A_238, %sub3A_258 : i32
        %select_n3A_260 = arith.select %and3A_257, %sub3A_259, %div3A_238 : i32
        %add3A_261 = arith.addi %mul3A_236, %select_n3A_260 : i32
        %mul3A_262 = arith.constant 1024 : i32
        %mul3A_263 = arith.muli %add3A_261, %mul3A_262 : i32
        %dma_start3A_264 = arith.constant 0 : i32
        %dma_start3A_265 = tpu.memref_slice %arg9[%dma_start3A_264] : memref<16384xf32, #tpu.memory_space<vmem>> -> memref<4096xf32, #tpu.memory_space<vmem>>
        %dma_start3A_266 = tpu.memref_slice %arg4[%mul3A_263] : memref<104857600xf32, #tpu.memory_space<hbm>> -> memref<4096xf32, #tpu.memory_space<hbm>>
        %dma_start3A_267 = tpu.memref_slice %arg4[%mul3A_263] : memref<104857600xf32, #tpu.memory_space<hbm>> -> memref<4096xf32, #tpu.memory_space<hbm>>
        %dma_start3A_268 = arith.constant 0 : i32
        %dma_start3A_269 = tpu.memref_slice %arg9[%dma_start3A_268] : memref<16384xf32, #tpu.memory_space<vmem>> -> memref<4096xf32, #tpu.memory_space<vmem>>
        tpu.enqueue_dma source(%dma_start3A_269 : memref<4096xf32, #tpu.memory_space<vmem>>) target(%dma_start3A_267 : memref<4096xf32, #tpu.memory_space<hbm>>) target_semaphore(%arg13 : memref<!tpu.dma_semaphore, #tpu.memory_space<semaphore_mem>>)
        %mul3A_270 = arith.constant 4 : i32
        %mul3A_271 = arith.muli %add3A_230, %mul3A_270 : i32
        %add3A_272 = arith.constant 1 : i32
        %add3A_273 = arith.addi %mul3A_271, %add3A_272 : i32
        %mul3A_274 = arith.constant 128 : i32
        %mul3A_275 = arith.muli %add3A_273, %mul3A_274 : i32
        %jit3A_276 = arith.constant 128 : i32
        %div3A_277 = arith.divsi %mul3A_2, %jit3A_276 : i32
        %sign3A_278 = arith.constant 0 : i32
        %sign3A_279 = arith.cmpi sgt, %mul3A_2, %sign3A_278 : i32
        %sign3A_280 = arith.extui %sign3A_279 : i1 to i32
        %sign3A_281 = arith.constant 0 : i32
        %sign3A_282 = arith.cmpi slt, %mul3A_2, %sign3A_281 : i32
        %sign3A_283 = arith.extui %sign3A_282 : i1 to i32
        %sign3A_284 = arith.subi %sign3A_280, %sign3A_283 : i32
        %sign3A_285 = arith.constant 0 : i32
        %sign3A_286 = arith.cmpi sgt, %jit3A_276, %sign3A_285 : i32
        %sign3A_287 = arith.extui %sign3A_286 : i1 to i32
        %sign3A_288 = arith.constant 0 : i32
        %sign3A_289 = arith.cmpi slt, %jit3A_276, %sign3A_288 : i32
        %sign3A_290 = arith.extui %sign3A_289 : i1 to i32
        %sign3A_291 = arith.subi %sign3A_287, %sign3A_290 : i32
        %ne3A_292 = arith.cmpi ne, %sign3A_284, %sign3A_291 : i32
        %rem3A_293 = arith.remsi %mul3A_2, %jit3A_276 : i32
        %ne3A_294 = arith.constant 0 : i32
        %ne3A_295 = arith.cmpi ne, %rem3A_293, %ne3A_294 : i32
        %and3A_296 = arith.andi %ne3A_292, %ne3A_295 : i1
        %sub3A_297 = arith.constant 1 : i32
        %sub3A_298 = arith.subi %div3A_277, %sub3A_297 : i32
        %select_n3A_299 = arith.select %and3A_296, %sub3A_298, %div3A_277 : i32
        %add3A_300 = arith.addi %mul3A_275, %select_n3A_299 : i32
        %mul3A_301 = arith.constant 1024 : i32
        %mul3A_302 = arith.muli %add3A_300, %mul3A_301 : i32
        %dma_start3A_303 = arith.constant 4096 : i32
        %dma_start3A_304 = tpu.memref_slice %arg9[%dma_start3A_303] : memref<16384xf32, #tpu.memory_space<vmem>> -> memref<4096xf32, #tpu.memory_space<vmem>>
        %dma_start3A_305 = tpu.memref_slice %arg4[%mul3A_302] : memref<104857600xf32, #tpu.memory_space<hbm>> -> memref<4096xf32, #tpu.memory_space<hbm>>
        %dma_start3A_306 = tpu.memref_slice %arg4[%mul3A_302] : memref<104857600xf32, #tpu.memory_space<hbm>> -> memref<4096xf32, #tpu.memory_space<hbm>>
        %dma_start3A_307 = arith.constant 4096 : i32
        %dma_start3A_308 = tpu.memref_slice %arg9[%dma_start3A_307] : memref<16384xf32, #tpu.memory_space<vmem>> -> memref<4096xf32, #tpu.memory_space<vmem>>
        tpu.enqueue_dma source(%dma_start3A_308 : memref<4096xf32, #tpu.memory_space<vmem>>) target(%dma_start3A_306 : memref<4096xf32, #tpu.memory_space<hbm>>) target_semaphore(%arg13 : memref<!tpu.dma_semaphore, #tpu.memory_space<semaphore_mem>>)
        %mul3A_309 = arith.constant 4 : i32
        %mul3A_310 = arith.muli %add3A_230, %mul3A_309 : i32
        %add3A_311 = arith.constant 2 : i32
        %add3A_312 = arith.addi %mul3A_310, %add3A_311 : i32
        %mul3A_313 = arith.constant 128 : i32
        %mul3A_314 = arith.muli %add3A_312, %mul3A_313 : i32
        %jit3A_315 = arith.constant 128 : i32
        %div3A_316 = arith.divsi %mul3A_2, %jit3A_315 : i32
        %sign3A_317 = arith.constant 0 : i32
        %sign3A_318 = arith.cmpi sgt, %mul3A_2, %sign3A_317 : i32
        %sign3A_319 = arith.extui %sign3A_318 : i1 to i32
        %sign3A_320 = arith.constant 0 : i32
        %sign3A_321 = arith.cmpi slt, %mul3A_2, %sign3A_320 : i32
        %sign3A_322 = arith.extui %sign3A_321 : i1 to i32
        %sign3A_323 = arith.subi %sign3A_319, %sign3A_322 : i32
        %sign3A_324 = arith.constant 0 : i32
        %sign3A_325 = arith.cmpi sgt, %jit3A_315, %sign3A_324 : i32
        %sign3A_326 = arith.extui %sign3A_325 : i1 to i32
        %sign3A_327 = arith.constant 0 : i32
        %sign3A_328 = arith.cmpi slt, %jit3A_315, %sign3A_327 : i32
        %sign3A_329 = arith.extui %sign3A_328 : i1 to i32
        %sign3A_330 = arith.subi %sign3A_326, %sign3A_329 : i32
        %ne3A_331 = arith.cmpi ne, %sign3A_323, %sign3A_330 : i32
        %rem3A_332 = arith.remsi %mul3A_2, %jit3A_315 : i32
        %ne3A_333 = arith.constant 0 : i32
        %ne3A_334 = arith.cmpi ne, %rem3A_332, %ne3A_333 : i32
        %and3A_335 = arith.andi %ne3A_331, %ne3A_334 : i1
        %sub3A_336 = arith.constant 1 : i32
        %sub3A_337 = arith.subi %div3A_316, %sub3A_336 : i32
        %select_n3A_338 = arith.select %and3A_335, %sub3A_337, %div3A_316 : i32
        %add3A_339 = arith.addi %mul3A_314, %select_n3A_338 : i32
        %mul3A_340 = arith.constant 1024 : i32
        %mul3A_341 = arith.muli %add3A_339, %mul3A_340 : i32
        %dma_start3A_342 = arith.constant 8192 : i32
        %dma_start3A_343 = tpu.memref_slice %arg9[%dma_start3A_342] : memref<16384xf32, #tpu.memory_space<vmem>> -> memref<4096xf32, #tpu.memory_space<vmem>>
        %dma_start3A_344 = tpu.memref_slice %arg4[%mul3A_341] : memref<104857600xf32, #tpu.memory_space<hbm>> -> memref<4096xf32, #tpu.memory_space<hbm>>
        %dma_start3A_345 = tpu.memref_slice %arg4[%mul3A_341] : memref<104857600xf32, #tpu.memory_space<hbm>> -> memref<4096xf32, #tpu.memory_space<hbm>>
        %dma_start3A_346 = arith.constant 8192 : i32
        %dma_start3A_347 = tpu.memref_slice %arg9[%dma_start3A_346] : memref<16384xf32, #tpu.memory_space<vmem>> -> memref<4096xf32, #tpu.memory_space<vmem>>
        tpu.enqueue_dma source(%dma_start3A_347 : memref<4096xf32, #tpu.memory_space<vmem>>) target(%dma_start3A_345 : memref<4096xf32, #tpu.memory_space<hbm>>) target_semaphore(%arg13 : memref<!tpu.dma_semaphore, #tpu.memory_space<semaphore_mem>>)
        %mul3A_348 = arith.constant 4 : i32
        %mul3A_349 = arith.muli %add3A_230, %mul3A_348 : i32
        %add3A_350 = arith.constant 3 : i32
        %add3A_351 = arith.addi %mul3A_349, %add3A_350 : i32
        %mul3A_352 = arith.constant 128 : i32
        %mul3A_353 = arith.muli %add3A_351, %mul3A_352 : i32
        %jit3A_354 = arith.constant 128 : i32
        %div3A_355 = arith.divsi %mul3A_2, %jit3A_354 : i32
        %sign3A_356 = arith.constant 0 : i32
        %sign3A_357 = arith.cmpi sgt, %mul3A_2, %sign3A_356 : i32
        %sign3A_358 = arith.extui %sign3A_357 : i1 to i32
        %sign3A_359 = arith.constant 0 : i32
        %sign3A_360 = arith.cmpi slt, %mul3A_2, %sign3A_359 : i32
        %sign3A_361 = arith.extui %sign3A_360 : i1 to i32
        %sign3A_362 = arith.subi %sign3A_358, %sign3A_361 : i32
        %sign3A_363 = arith.constant 0 : i32
        %sign3A_364 = arith.cmpi sgt, %jit3A_354, %sign3A_363 : i32
        %sign3A_365 = arith.extui %sign3A_364 : i1 to i32
        %sign3A_366 = arith.constant 0 : i32
        %sign3A_367 = arith.cmpi slt, %jit3A_354, %sign3A_366 : i32
        %sign3A_368 = arith.extui %sign3A_367 : i1 to i32
        %sign3A_369 = arith.subi %sign3A_365, %sign3A_368 : i32
        %ne3A_370 = arith.cmpi ne, %sign3A_362, %sign3A_369 : i32
        %rem3A_371 = arith.remsi %mul3A_2, %jit3A_354 : i32
        %ne3A_372 = arith.constant 0 : i32
        %ne3A_373 = arith.cmpi ne, %rem3A_371, %ne3A_372 : i32
        %and3A_374 = arith.andi %ne3A_370, %ne3A_373 : i1
        %sub3A_375 = arith.constant 1 : i32
        %sub3A_376 = arith.subi %div3A_355, %sub3A_375 : i32
        %select_n3A_377 = arith.select %and3A_374, %sub3A_376, %div3A_355 : i32
        %add3A_378 = arith.addi %mul3A_353, %select_n3A_377 : i32
        %mul3A_379 = arith.constant 1024 : i32
        %mul3A_380 = arith.muli %add3A_378, %mul3A_379 : i32
        %dma_start3A_381 = arith.constant 12288 : i32
        %dma_start3A_382 = tpu.memref_slice %arg9[%dma_start3A_381] : memref<16384xf32, #tpu.memory_space<vmem>> -> memref<4096xf32, #tpu.memory_space<vmem>>
        %dma_start3A_383 = tpu.memref_slice %arg4[%mul3A_380] : memref<104857600xf32, #tpu.memory_space<hbm>> -> memref<4096xf32, #tpu.memory_space<hbm>>
        %dma_start3A_384 = tpu.memref_slice %arg4[%mul3A_380] : memref<104857600xf32, #tpu.memory_space<hbm>> -> memref<4096xf32, #tpu.memory_space<hbm>>
        %dma_start3A_385 = arith.constant 12288 : i32
        %dma_start3A_386 = tpu.memref_slice %arg9[%dma_start3A_385] : memref<16384xf32, #tpu.memory_space<vmem>> -> memref<4096xf32, #tpu.memory_space<vmem>>
        tpu.enqueue_dma source(%dma_start3A_386 : memref<4096xf32, #tpu.memory_space<vmem>>) target(%dma_start3A_384 : memref<4096xf32, #tpu.memory_space<hbm>>) target_semaphore(%arg13 : memref<!tpu.dma_semaphore, #tpu.memory_space<semaphore_mem>>)
        %mul3A_387 = arith.constant 2 : i32
        %mul3A_388 = arith.muli %scan3A_204, %mul3A_387 : i32
        %add3A_389 = arith.constant 1 : i32
        %add3A_390 = arith.addi %mul3A_388, %add3A_389 : i32
        %dma_wait3A_391 = arith.constant 0 : i32
        %dma_wait3A_392 = arith.constant 0 : i32
        %dma_wait3A_393 = tpu.memref_slice %arg6[%dma_wait3A_391, %dma_wait3A_392] : memref<40x512xi32, #tpu.memory_space<vmem>> -> memref<1x512xi32, #tpu.memory_space<vmem>>
        %dma_wait3A_394 = tpu.memref_squeeze %dma_wait3A_393 : memref<1x512xi32, #tpu.memory_space<vmem>> -> memref<512xi32, #tpu.memory_space<vmem>>
        %dma_wait3A_395 = arith.constant 0 : i32
        %dma_wait3A_396 = arith.constant 0 : i32
        %dma_wait3A_397 = tpu.memref_slice %arg3[%dma_wait3A_395, %dma_wait3A_396] : memref<1000000x32xf32, #tpu.memory_space<hbm>> -> memref<1000000x32xf32, #tpu.memory_space<hbm>>
        tpu.wait_indirect_dma semaphore(%arg12 : memref<!tpu.dma_semaphore, #tpu.memory_space<semaphore_mem>>) src(%dma_wait3A_397 : memref<1000000x32xf32, #tpu.memory_space<hbm>>) dst(%arg8 : memref<512x32xf32, #tpu.memory_space<vmem>>)
        %add3A_398 = arith.constant 1 : i32
        %add3A_399 = arith.addi %add3A_390, %add3A_398 : i32
        %lt3A_400 = arith.constant 40 : i32
        %lt3A_401 = arith.cmpi slt, %add3A_399, %lt3A_400 : i32
        %convert_element_type3A_402 = arith.extui %lt3A_401 : i1 to i32
        %cond3A_403 = arith.constant 0 : i32
        %cond3A_404 = arith.cmpi ne, %convert_element_type3A_402, %cond3A_403 : i32
        scf.if %cond3A_404 {
          %add3A_572 = arith.constant 1 : i32
          %add3A_573 = arith.addi %add3A_390, %add3A_572 : i32
          %dma_start3A_574 = arith.constant 0 : i32
          %dma_start3A_575 = tpu.memref_slice %arg6[%add3A_573, %dma_start3A_574] : memref<40x512xi32, #tpu.memory_space<vmem>> -> memref<1x512xi32, #tpu.memory_space<vmem>>
          %dma_start3A_576 = tpu.memref_squeeze %dma_start3A_575 : memref<1x512xi32, #tpu.memory_space<vmem>> -> memref<512xi32, #tpu.memory_space<vmem>>
          %dma_start3A_577 = arith.constant 0 : i32
          %dma_start3A_578 = arith.constant 0 : i32
          %dma_start3A_579 = tpu.memref_slice %arg3[%dma_start3A_577, %dma_start3A_578] : memref<1000000x32xf32, #tpu.memory_space<hbm>> -> memref<1000000x32xf32, #tpu.memory_space<hbm>>
          tpu.enqueue_indirect_dma source(%dma_start3A_579 : memref<1000000x32xf32, #tpu.memory_space<hbm>>) target(%arg7 : memref<512x32xf32, #tpu.memory_space<vmem>>) offsets(%dma_start3A_576 : memref<512xi32, #tpu.memory_space<vmem>>) semaphore(%arg11 : memref<!tpu.dma_semaphore, #tpu.memory_space<semaphore_mem>>)
        } else {
        }
        %gt3A_405 = arith.constant 0 : i32
        %gt3A_406 = arith.cmpi sgt, %scan3A_204, %gt3A_405 : i32
        %convert_element_type3A_407 = arith.extui %gt3A_406 : i1 to i32
        %cond3A_408 = arith.constant 0 : i32
        %cond3A_409 = arith.cmpi ne, %convert_element_type3A_407, %cond3A_408 : i32
        scf.if %cond3A_409 {
          %dma_wait3A_572 = arith.constant 0 : i32
          %dma_wait3A_573 = tpu.memref_slice %arg10[%dma_wait3A_572] : memref<16384xf32, #tpu.memory_space<vmem>> -> memref<4096xf32, #tpu.memory_space<vmem>>
          %dma_wait3A_574 = arith.constant 0 : i32
          %dma_wait3A_575 = tpu.memref_slice %arg4[%dma_wait3A_574] : memref<104857600xf32, #tpu.memory_space<hbm>> -> memref<4096xf32, #tpu.memory_space<hbm>>
          %dma_wait3A_576 = arith.constant 0 : i32
          %dma_wait3A_577 = tpu.memref_slice %arg4[%dma_wait3A_576] : memref<104857600xf32, #tpu.memory_space<hbm>> -> memref<4096xf32, #tpu.memory_space<hbm>>
          %dma_wait3A_578 = arith.constant 0 : i32
          %dma_wait3A_579 = tpu.memref_slice %arg10[%dma_wait3A_578] : memref<16384xf32, #tpu.memory_space<vmem>> -> memref<4096xf32, #tpu.memory_space<vmem>>
          tpu.wait_dma2 semaphore(%arg14 : memref<!tpu.dma_semaphore, #tpu.memory_space<semaphore_mem>>) src(%dma_wait3A_579 : memref<4096xf32, #tpu.memory_space<vmem>>) dst(%dma_wait3A_577 : memref<4096xf32, #tpu.memory_space<hbm>>)
          %dma_wait3A_580 = arith.constant 4096 : i32
          %dma_wait3A_581 = tpu.memref_slice %arg10[%dma_wait3A_580] : memref<16384xf32, #tpu.memory_space<vmem>> -> memref<4096xf32, #tpu.memory_space<vmem>>
          %dma_wait3A_582 = arith.constant 0 : i32
          %dma_wait3A_583 = tpu.memref_slice %arg4[%dma_wait3A_582] : memref<104857600xf32, #tpu.memory_space<hbm>> -> memref<4096xf32, #tpu.memory_space<hbm>>
          %dma_wait3A_584 = arith.constant 0 : i32
          %dma_wait3A_585 = tpu.memref_slice %arg4[%dma_wait3A_584] : memref<104857600xf32, #tpu.memory_space<hbm>> -> memref<4096xf32, #tpu.memory_space<hbm>>
          %dma_wait3A_586 = arith.constant 4096 : i32
          %dma_wait3A_587 = tpu.memref_slice %arg10[%dma_wait3A_586] : memref<16384xf32, #tpu.memory_space<vmem>> -> memref<4096xf32, #tpu.memory_space<vmem>>
          tpu.wait_dma2 semaphore(%arg14 : memref<!tpu.dma_semaphore, #tpu.memory_space<semaphore_mem>>) src(%dma_wait3A_587 : memref<4096xf32, #tpu.memory_space<vmem>>) dst(%dma_wait3A_585 : memref<4096xf32, #tpu.memory_space<hbm>>)
          %dma_wait3A_588 = arith.constant 8192 : i32
          %dma_wait3A_589 = tpu.memref_slice %arg10[%dma_wait3A_588] : memref<16384xf32, #tpu.memory_space<vmem>> -> memref<4096xf32, #tpu.memory_space<vmem>>
          %dma_wait3A_590 = arith.constant 0 : i32
          %dma_wait3A_591 = tpu.memref_slice %arg4[%dma_wait3A_590] : memref<104857600xf32, #tpu.memory_space<hbm>> -> memref<4096xf32, #tpu.memory_space<hbm>>
          %dma_wait3A_592 = arith.constant 0 : i32
          %dma_wait3A_593 = tpu.memref_slice %arg4[%dma_wait3A_592] : memref<104857600xf32, #tpu.memory_space<hbm>> -> memref<4096xf32, #tpu.memory_space<hbm>>
          %dma_wait3A_594 = arith.constant 8192 : i32
          %dma_wait3A_595 = tpu.memref_slice %arg10[%dma_wait3A_594] : memref<16384xf32, #tpu.memory_space<vmem>> -> memref<4096xf32, #tpu.memory_space<vmem>>
          tpu.wait_dma2 semaphore(%arg14 : memref<!tpu.dma_semaphore, #tpu.memory_space<semaphore_mem>>) src(%dma_wait3A_595 : memref<4096xf32, #tpu.memory_space<vmem>>) dst(%dma_wait3A_593 : memref<4096xf32, #tpu.memory_space<hbm>>)
          %dma_wait3A_596 = arith.constant 12288 : i32
          %dma_wait3A_597 = tpu.memref_slice %arg10[%dma_wait3A_596] : memref<16384xf32, #tpu.memory_space<vmem>> -> memref<4096xf32, #tpu.memory_space<vmem>>
          %dma_wait3A_598 = arith.constant 0 : i32
          %dma_wait3A_599 = tpu.memref_slice %arg4[%dma_wait3A_598] : memref<104857600xf32, #tpu.memory_space<hbm>> -> memref<4096xf32, #tpu.memory_space<hbm>>
          %dma_wait3A_600 = arith.constant 0 : i32
          %dma_wait3A_601 = tpu.memref_slice %arg4[%dma_wait3A_600] : memref<104857600xf32, #tpu.memory_space<hbm>> -> memref<4096xf32, #tpu.memory_space<hbm>>
          %dma_wait3A_602 = arith.constant 12288 : i32
          %dma_wait3A_603 = tpu.memref_slice %arg10[%dma_wait3A_602] : memref<16384xf32, #tpu.memory_space<vmem>> -> memref<4096xf32, #tpu.memory_space<vmem>>
          tpu.wait_dma2 semaphore(%arg14 : memref<!tpu.dma_semaphore, #tpu.memory_space<semaphore_mem>>) src(%dma_wait3A_603 : memref<4096xf32, #tpu.memory_space<vmem>>) dst(%dma_wait3A_601 : memref<4096xf32, #tpu.memory_space<hbm>>)
        } else {
        }
        %parallel_loop3A_410 = arith.constant 0 : i32
        %parallel_loop3A_411 = arith.constant 512 : i32
        %parallel_loop3A_412 = arith.constant 1 : i32
        scf.for %parallel_loop3A_572 = %parallel_loop3A_410 to %parallel_loop3A_411 step %parallel_loop3A_412  : i32 {
          %parallel_loop3A_573 = arith.constant 7 : i32
          %parallel_loop3A_574 = arith.shrsi %parallel_loop3A_572, %parallel_loop3A_573 : i32
          %parallel_loop3A_575 = arith.constant 10 : i32
          %parallel_loop3A_576 = arith.shli %parallel_loop3A_574, %parallel_loop3A_575 : i32
          %parallel_loop3A_577 = arith.constant 127 : i32
          %parallel_loop3A_578 = arith.andi %parallel_loop3A_572, %parallel_loop3A_577 : i32
          %parallel_loop3A_579 = arith.addi %parallel_loop3A_576, %parallel_loop3A_578 : i32
          %parallel_loop3A_580 = arith.index_cast %parallel_loop3A_572 : i32 to index
          %parallel_loop3A_581 = arith.constant 0 : index
          %parallel_loop3A_582 = tpu.vector_load %arg8[%parallel_loop3A_580, %parallel_loop3A_581] {strides = array<i32>} : memref<512x32xf32, #tpu.memory_space<vmem>>, vector<16xf32>,
          %parallel_loop3A_583 = vector.broadcast %parallel_loop3A_579 : i32 to vector<16xi32>
          %parallel_loop3A_584 = arith.addi %add3A_55, %parallel_loop3A_583 : vector<16xi32>
          tpu.vector_store_idx %arg10[%parallel_loop3A_584], %parallel_loop3A_582 : memref<16384xf32, #tpu.memory_space<vmem>>[vector<16xi32>], vector<16xf32>,
          %parallel_loop3A_585 = arith.index_cast %parallel_loop3A_572 : i32 to index
          %parallel_loop3A_586 = arith.constant 16 : index
          %parallel_loop3A_587 = tpu.vector_load %arg8[%parallel_loop3A_585, %parallel_loop3A_586] {strides = array<i32>} : memref<512x32xf32, #tpu.memory_space<vmem>>, vector<16xf32>,
          %parallel_loop3A_588 = vector.broadcast %parallel_loop3A_579 : i32 to vector<16xi32>
          %parallel_loop3A_589 = arith.addi %add3A_118, %parallel_loop3A_588 : vector<16xi32>
          tpu.vector_store_idx %arg10[%parallel_loop3A_589], %parallel_loop3A_587 : memref<16384xf32, #tpu.memory_space<vmem>>[vector<16xi32>], vector<16xf32>,
        } {sc.loop_unroll_factor = 16 : i64, sc.parallel_access}
        %mul3A_413 = arith.constant 40 : i32
        %mul3A_414 = arith.muli %scan3A_124, %mul3A_413 : i32
        %add3A_415 = arith.addi %mul3A_414, %add3A_390 : i32
        %mul3A_416 = arith.constant 4 : i32
        %mul3A_417 = arith.muli %add3A_415, %mul3A_416 : i32
        %add3A_418 = arith.constant 0 : i32
        %add3A_419 = arith.addi %mul3A_417, %add3A_418 : i32
        %mul3A_420 = arith.constant 128 : i32
        %mul3A_421 = arith.muli %add3A_419, %mul3A_420 : i32
        %jit3A_422 = arith.constant 128 : i32
        %div3A_423 = arith.divsi %mul3A_2, %jit3A_422 : i32
        %sign3A_424 = arith.constant 0 : i32
        %sign3A_425 = arith.cmpi sgt, %mul3A_2, %sign3A_424 : i32
        %sign3A_426 = arith.extui %sign3A_425 : i1 to i32
        %sign3A_427 = arith.constant 0 : i32
        %sign3A_428 = arith.cmpi slt, %mul3A_2, %sign3A_427 : i32
        %sign3A_429 = arith.extui %sign3A_428 : i1 to i32
        %sign3A_430 = arith.subi %sign3A_426, %sign3A_429 : i32
        %sign3A_431 = arith.constant 0 : i32
        %sign3A_432 = arith.cmpi sgt, %jit3A_422, %sign3A_431 : i32
        %sign3A_433 = arith.extui %sign3A_432 : i1 to i32
        %sign3A_434 = arith.constant 0 : i32
        %sign3A_435 = arith.cmpi slt, %jit3A_422, %sign3A_434 : i32
        %sign3A_436 = arith.extui %sign3A_435 : i1 to i32
        %sign3A_437 = arith.subi %sign3A_433, %sign3A_436 : i32
        %ne3A_438 = arith.cmpi ne, %sign3A_430, %sign3A_437 : i32
        %rem3A_439 = arith.remsi %mul3A_2, %jit3A_422 : i32
        %ne3A_440 = arith.constant 0 : i32
        %ne3A_441 = arith.cmpi ne, %rem3A_439, %ne3A_440 : i32
        %and3A_442 = arith.andi %ne3A_438, %ne3A_441 : i1
        %sub3A_443 = arith.constant 1 : i32
        %sub3A_444 = arith.subi %div3A_423, %sub3A_443 : i32
        %select_n3A_445 = arith.select %and3A_442, %sub3A_444, %div3A_423 : i32
        %add3A_446 = arith.addi %mul3A_421, %select_n3A_445 : i32
        %mul3A_447 = arith.constant 1024 : i32
        %mul3A_448 = arith.muli %add3A_446, %mul3A_447 : i32
        %dma_start3A_449 = arith.constant 0 : i32
        %dma_start3A_450 = tpu.memref_slice %arg10[%dma_start3A_449] : memref<16384xf32, #tpu.memory_space<vmem>> -> memref<4096xf32, #tpu.memory_space<vmem>>
        %dma_start3A_451 = tpu.memref_slice %arg4[%mul3A_448] : memref<104857600xf32, #tpu.memory_space<hbm>> -> memref<4096xf32, #tpu.memory_space<hbm>>
        %dma_start3A_452 = tpu.memref_slice %arg4[%mul3A_448] : memref<104857600xf32, #tpu.memory_space<hbm>> -> memref<4096xf32, #tpu.memory_space<hbm>>
        %dma_start3A_453 = arith.constant 0 : i32
        %dma_start3A_454 = tpu.memref_slice %arg10[%dma_start3A_453] : memref<16384xf32, #tpu.memory_space<vmem>> -> memref<4096xf32, #tpu.memory_space<vmem>>
        tpu.enqueue_dma source(%dma_start3A_454 : memref<4096xf32, #tpu.memory_space<vmem>>) target(%dma_start3A_452 : memref<4096xf32, #tpu.memory_space<hbm>>) target_semaphore(%arg14 : memref<!tpu.dma_semaphore, #tpu.memory_space<semaphore_mem>>)
        %mul3A_455 = arith.constant 4 : i32
        %mul3A_456 = arith.muli %add3A_415, %mul3A_455 : i32
        %add3A_457 = arith.constant 1 : i32
        %add3A_458 = arith.addi %mul3A_456, %add3A_457 : i32
        %mul3A_459 = arith.constant 128 : i32
        %mul3A_460 = arith.muli %add3A_458, %mul3A_459 : i32
        %jit3A_461 = arith.constant 128 : i32
        %div3A_462 = arith.divsi %mul3A_2, %jit3A_461 : i32
        %sign3A_463 = arith.constant 0 : i32
        %sign3A_464 = arith.cmpi sgt, %mul3A_2, %sign3A_463 : i32
        %sign3A_465 = arith.extui %sign3A_464 : i1 to i32
        %sign3A_466 = arith.constant 0 : i32
        %sign3A_467 = arith.cmpi slt, %mul3A_2, %sign3A_466 : i32
        %sign3A_468 = arith.extui %sign3A_467 : i1 to i32
        %sign3A_469 = arith.subi %sign3A_465, %sign3A_468 : i32
        %sign3A_470 = arith.constant 0 : i32
        %sign3A_471 = arith.cmpi sgt, %jit3A_461, %sign3A_470 : i32
        %sign3A_472 = arith.extui %sign3A_471 : i1 to i32
        %sign3A_473 = arith.constant 0 : i32
        %sign3A_474 = arith.cmpi slt, %jit3A_461, %sign3A_473 : i32
        %sign3A_475 = arith.extui %sign3A_474 : i1 to i32
        %sign3A_476 = arith.subi %sign3A_472, %sign3A_475 : i32
        %ne3A_477 = arith.cmpi ne, %sign3A_469, %sign3A_476 : i32
        %rem3A_478 = arith.remsi %mul3A_2, %jit3A_461 : i32
        %ne3A_479 = arith.constant 0 : i32
        %ne3A_480 = arith.cmpi ne, %rem3A_478, %ne3A_479 : i32
        %and3A_481 = arith.andi %ne3A_477, %ne3A_480 : i1
        %sub3A_482 = arith.constant 1 : i32
        %sub3A_483 = arith.subi %div3A_462, %sub3A_482 : i32
        %select_n3A_484 = arith.select %and3A_481, %sub3A_483, %div3A_462 : i32
        %add3A_485 = arith.addi %mul3A_460, %select_n3A_484 : i32
        %mul3A_486 = arith.constant 1024 : i32
        %mul3A_487 = arith.muli %add3A_485, %mul3A_486 : i32
        %dma_start3A_488 = arith.constant 4096 : i32
        %dma_start3A_489 = tpu.memref_slice %arg10[%dma_start3A_488] : memref<16384xf32, #tpu.memory_space<vmem>> -> memref<4096xf32, #tpu.memory_space<vmem>>
        %dma_start3A_490 = tpu.memref_slice %arg4[%mul3A_487] : memref<104857600xf32, #tpu.memory_space<hbm>> -> memref<4096xf32, #tpu.memory_space<hbm>>
        %dma_start3A_491 = tpu.memref_slice %arg4[%mul3A_487] : memref<104857600xf32, #tpu.memory_space<hbm>> -> memref<4096xf32, #tpu.memory_space<hbm>>
        %dma_start3A_492 = arith.constant 4096 : i32
        %dma_start3A_493 = tpu.memref_slice %arg10[%dma_start3A_492] : memref<16384xf32, #tpu.memory_space<vmem>> -> memref<4096xf32, #tpu.memory_space<vmem>>
        tpu.enqueue_dma source(%dma_start3A_493 : memref<4096xf32, #tpu.memory_space<vmem>>) target(%dma_start3A_491 : memref<4096xf32, #tpu.memory_space<hbm>>) target_semaphore(%arg14 : memref<!tpu.dma_semaphore, #tpu.memory_space<semaphore_mem>>)
        %mul3A_494 = arith.constant 4 : i32
        %mul3A_495 = arith.muli %add3A_415, %mul3A_494 : i32
        %add3A_496 = arith.constant 2 : i32
        %add3A_497 = arith.addi %mul3A_495, %add3A_496 : i32
        %mul3A_498 = arith.constant 128 : i32
        %mul3A_499 = arith.muli %add3A_497, %mul3A_498 : i32
        %jit3A_500 = arith.constant 128 : i32
        %div3A_501 = arith.divsi %mul3A_2, %jit3A_500 : i32
        %sign3A_502 = arith.constant 0 : i32
        %sign3A_503 = arith.cmpi sgt, %mul3A_2, %sign3A_502 : i32
        %sign3A_504 = arith.extui %sign3A_503 : i1 to i32
        %sign3A_505 = arith.constant 0 : i32
        %sign3A_506 = arith.cmpi slt, %mul3A_2, %sign3A_505 : i32
        %sign3A_507 = arith.extui %sign3A_506 : i1 to i32
        %sign3A_508 = arith.subi %sign3A_504, %sign3A_507 : i32
        %sign3A_509 = arith.constant 0 : i32
        %sign3A_510 = arith.cmpi sgt, %jit3A_500, %sign3A_509 : i32
        %sign3A_511 = arith.extui %sign3A_510 : i1 to i32
        %sign3A_512 = arith.constant 0 : i32
        %sign3A_513 = arith.cmpi slt, %jit3A_500, %sign3A_512 : i32
        %sign3A_514 = arith.extui %sign3A_513 : i1 to i32
        %sign3A_515 = arith.subi %sign3A_511, %sign3A_514 : i32
        %ne3A_516 = arith.cmpi ne, %sign3A_508, %sign3A_515 : i32
        %rem3A_517 = arith.remsi %mul3A_2, %jit3A_500 : i32
        %ne3A_518 = arith.constant 0 : i32
        %ne3A_519 = arith.cmpi ne, %rem3A_517, %ne3A_518 : i32
        %and3A_520 = arith.andi %ne3A_516, %ne3A_519 : i1
        %sub3A_521 = arith.constant 1 : i32
        %sub3A_522 = arith.subi %div3A_501, %sub3A_521 : i32
        %select_n3A_523 = arith.select %and3A_520, %sub3A_522, %div3A_501 : i32
        %add3A_524 = arith.addi %mul3A_499, %select_n3A_523 : i32
        %mul3A_525 = arith.constant 1024 : i32
        %mul3A_526 = arith.muli %add3A_524, %mul3A_525 : i32
        %dma_start3A_527 = arith.constant 8192 : i32
        %dma_start3A_528 = tpu.memref_slice %arg10[%dma_start3A_527] : memref<16384xf32, #tpu.memory_space<vmem>> -> memref<4096xf32, #tpu.memory_space<vmem>>
        %dma_start3A_529 = tpu.memref_slice %arg4[%mul3A_526] : memref<104857600xf32, #tpu.memory_space<hbm>> -> memref<4096xf32, #tpu.memory_space<hbm>>
        %dma_start3A_530 = tpu.memref_slice %arg4[%mul3A_526] : memref<104857600xf32, #tpu.memory_space<hbm>> -> memref<4096xf32, #tpu.memory_space<hbm>>
        %dma_start3A_531 = arith.constant 8192 : i32
        %dma_start3A_532 = tpu.memref_slice %arg10[%dma_start3A_531] : memref<16384xf32, #tpu.memory_space<vmem>> -> memref<4096xf32, #tpu.memory_space<vmem>>
        tpu.enqueue_dma source(%dma_start3A_532 : memref<4096xf32, #tpu.memory_space<vmem>>) target(%dma_start3A_530 : memref<4096xf32, #tpu.memory_space<hbm>>) target_semaphore(%arg14 : memref<!tpu.dma_semaphore, #tpu.memory_space<semaphore_mem>>)
        %mul3A_533 = arith.constant 4 : i32
        %mul3A_534 = arith.muli %add3A_415, %mul3A_533 : i32
        %add3A_535 = arith.constant 3 : i32
        %add3A_536 = arith.addi %mul3A_534, %add3A_535 : i32
        %mul3A_537 = arith.constant 128 : i32
        %mul3A_538 = arith.muli %add3A_536, %mul3A_537 : i32
        %jit3A_539 = arith.constant 128 : i32
        %div3A_540 = arith.divsi %mul3A_2, %jit3A_539 : i32
        %sign3A_541 = arith.constant 0 : i32
        %sign3A_542 = arith.cmpi sgt, %mul3A_2, %sign3A_541 : i32
        %sign3A_543 = arith.extui %sign3A_542 : i1 to i32
        %sign3A_544 = arith.constant 0 : i32
        %sign3A_545 = arith.cmpi slt, %mul3A_2, %sign3A_544 : i32
        %sign3A_546 = arith.extui %sign3A_545 : i1 to i32
        %sign3A_547 = arith.subi %sign3A_543, %sign3A_546 : i32
        %sign3A_548 = arith.constant 0 : i32
        %sign3A_549 = arith.cmpi sgt, %jit3A_539, %sign3A_548 : i32
        %sign3A_550 = arith.extui %sign3A_549 : i1 to i32
        %sign3A_551 = arith.constant 0 : i32
        %sign3A_552 = arith.cmpi slt, %jit3A_539, %sign3A_551 : i32
        %sign3A_553 = arith.extui %sign3A_552 : i1 to i32
        %sign3A_554 = arith.subi %sign3A_550, %sign3A_553 : i32
        %ne3A_555 = arith.cmpi ne, %sign3A_547, %sign3A_554 : i32
        %rem3A_556 = arith.remsi %mul3A_2, %jit3A_539 : i32
        %ne3A_557 = arith.constant 0 : i32
        %ne3A_558 = arith.cmpi ne, %rem3A_556, %ne3A_557 : i32
        %and3A_559 = arith.andi %ne3A_555, %ne3A_558 : i1
        %sub3A_560 = arith.constant 1 : i32
        %sub3A_561 = arith.subi %div3A_540, %sub3A_560 : i32
        %select_n3A_562 = arith.select %and3A_559, %sub3A_561, %div3A_540 : i32
        %add3A_563 = arith.addi %mul3A_538, %select_n3A_562 : i32
        %mul3A_564 = arith.constant 1024 : i32
        %mul3A_565 = arith.muli %add3A_563, %mul3A_564 : i32
        %dma_start3A_566 = arith.constant 12288 : i32
        %dma_start3A_567 = tpu.memref_slice %arg10[%dma_start3A_566] : memref<16384xf32, #tpu.memory_space<vmem>> -> memref<4096xf32, #tpu.memory_space<vmem>>
        %dma_start3A_568 = tpu.memref_slice %arg4[%mul3A_565] : memref<104857600xf32, #tpu.memory_space<hbm>> -> memref<4096xf32, #tpu.memory_space<hbm>>
        %dma_start3A_569 = tpu.memref_slice %arg4[%mul3A_565] : memref<104857600xf32, #tpu.memory_space<hbm>> -> memref<4096xf32, #tpu.memory_space<hbm>>
        %dma_start3A_570 = arith.constant 12288 : i32
        %dma_start3A_571 = tpu.memref_slice %arg10[%dma_start3A_570] : memref<16384xf32, #tpu.memory_space<vmem>> -> memref<4096xf32, #tpu.memory_space<vmem>>
        tpu.enqueue_dma source(%dma_start3A_571 : memref<4096xf32, #tpu.memory_space<vmem>>) target(%dma_start3A_569 : memref<4096xf32, #tpu.memory_space<hbm>>) target_semaphore(%arg14 : memref<!tpu.dma_semaphore, #tpu.memory_space<semaphore_mem>>)
      }
      %scan3A_140 = arith.constant 20 : i32
      %dma_wait3A = arith.constant 0 : i32
      %dma_wait3A_141 = tpu.memref_slice %arg9[%dma_wait3A] : memref<16384xf32, #tpu.memory_space<vmem>> -> memref<4096xf32, #tpu.memory_space<vmem>>
      %dma_wait3A_142 = arith.constant 0 : i32
      %dma_wait3A_143 = tpu.memref_slice %arg4[%dma_wait3A_142] : memref<104857600xf32, #tpu.memory_space<hbm>> -> memref<4096xf32, #tpu.memory_space<hbm>>
      %dma_wait3A_144 = arith.constant 0 : i32
      %dma_wait3A_145 = tpu.memref_slice %arg4[%dma_wait3A_144] : memref<104857600xf32, #tpu.memory_space<hbm>> -> memref<4096xf32, #tpu.memory_space<hbm>>
      %dma_wait3A_146 = arith.constant 0 : i32
      %dma_wait3A_147 = tpu.memref_slice %arg9[%dma_wait3A_146] : memref<16384xf32, #tpu.memory_space<vmem>> -> memref<4096xf32, #tpu.memory_space<vmem>>
      tpu.wait_dma2 semaphore(%arg13 : memref<!tpu.dma_semaphore, #tpu.memory_space<semaphore_mem>>) src(%dma_wait3A_147 : memref<4096xf32, #tpu.memory_space<vmem>>) dst(%dma_wait3A_145 : memref<4096xf32, #tpu.memory_space<hbm>>)
      %dma_wait3A_148 = arith.constant 4096 : i32
      %dma_wait3A_149 = tpu.memref_slice %arg9[%dma_wait3A_148] : memref<16384xf32, #tpu.memory_space<vmem>> -> memref<4096xf32, #tpu.memory_space<vmem>>
      %dma_wait3A_150 = arith.constant 0 : i32
      %dma_wait3A_151 = tpu.memref_slice %arg4[%dma_wait3A_150] : memref<104857600xf32, #tpu.memory_space<hbm>> -> memref<4096xf32, #tpu.memory_space<hbm>>
      %dma_wait3A_152 = arith.constant 0 : i32
      %dma_wait3A_153 = tpu.memref_slice %arg4[%dma_wait3A_152] : memref<104857600xf32, #tpu.memory_space<hbm>> -> memref<4096xf32, #tpu.memory_space<hbm>>
      %dma_wait3A_154 = arith.constant 4096 : i32
      %dma_wait3A_155 = tpu.memref_slice %arg9[%dma_wait3A_154] : memref<16384xf32, #tpu.memory_space<vmem>> -> memref<4096xf32, #tpu.memory_space<vmem>>
      tpu.wait_dma2 semaphore(%arg13 : memref<!tpu.dma_semaphore, #tpu.memory_space<semaphore_mem>>) src(%dma_wait3A_155 : memref<4096xf32, #tpu.memory_space<vmem>>) dst(%dma_wait3A_153 : memref<4096xf32, #tpu.memory_space<hbm>>)
      %dma_wait3A_156 = arith.constant 8192 : i32
      %dma_wait3A_157 = tpu.memref_slice %arg9[%dma_wait3A_156] : memref<16384xf32, #tpu.memory_space<vmem>> -> memref<4096xf32, #tpu.memory_space<vmem>>
      %dma_wait3A_158 = arith.constant 0 : i32
      %dma_wait3A_159 = tpu.memref_slice %arg4[%dma_wait3A_158] : memref<104857600xf32, #tpu.memory_space<hbm>> -> memref<4096xf32, #tpu.memory_space<hbm>>
      %dma_wait3A_160 = arith.constant 0 : i32
      %dma_wait3A_161 = tpu.memref_slice %arg4[%dma_wait3A_160] : memref<104857600xf32, #tpu.memory_space<hbm>> -> memref<4096xf32, #tpu.memory_space<hbm>>
      %dma_wait3A_162 = arith.constant 8192 : i32
      %dma_wait3A_163 = tpu.memref_slice %arg9[%dma_wait3A_162] : memref<16384xf32, #tpu.memory_space<vmem>> -> memref<4096xf32, #tpu.memory_space<vmem>>
      tpu.wait_dma2 semaphore(%arg13 : memref<!tpu.dma_semaphore, #tpu.memory_space<semaphore_mem>>) src(%dma_wait3A_163 : memref<4096xf32, #tpu.memory_space<vmem>>) dst(%dma_wait3A_161 : memref<4096xf32, #tpu.memory_space<hbm>>)
      %dma_wait3A_164 = arith.constant 12288 : i32
      %dma_wait3A_165 = tpu.memref_slice %arg9[%dma_wait3A_164] : memref<16384xf32, #tpu.memory_space<vmem>> -> memref<4096xf32, #tpu.memory_space<vmem>>
      %dma_wait3A_166 = arith.constant 0 : i32
      %dma_wait3A_167 = tpu.memref_slice %arg4[%dma_wait3A_166] : memref<104857600xf32, #tpu.memory_space<hbm>> -> memref<4096xf32, #tpu.memory_space<hbm>>
      %dma_wait3A_168 = arith.constant 0 : i32
      %dma_wait3A_169 = tpu.memref_slice %arg4[%dma_wait3A_168] : memref<104857600xf32, #tpu.memory_space<hbm>> -> memref<4096xf32, #tpu.memory_space<hbm>>
      %dma_wait3A_170 = arith.constant 12288 : i32
      %dma_wait3A_171 = tpu.memref_slice %arg9[%dma_wait3A_170] : memref<16384xf32, #tpu.memory_space<vmem>> -> memref<4096xf32, #tpu.memory_space<vmem>>
      tpu.wait_dma2 semaphore(%arg13 : memref<!tpu.dma_semaphore, #tpu.memory_space<semaphore_mem>>) src(%dma_wait3A_171 : memref<4096xf32, #tpu.memory_space<vmem>>) dst(%dma_wait3A_169 : memref<4096xf32, #tpu.memory_space<hbm>>)
      %dma_wait3A_172 = arith.constant 0 : i32
      %dma_wait3A_173 = tpu.memref_slice %arg10[%dma_wait3A_172] : memref<16384xf32, #tpu.memory_space<vmem>> -> memref<4096xf32, #tpu.memory_space<vmem>>
      %dma_wait3A_174 = arith.constant 0 : i32
      %dma_wait3A_175 = tpu.memref_slice %arg4[%dma_wait3A_174] : memref<104857600xf32, #tpu.memory_space<hbm>> -> memref<4096xf32, #tpu.memory_space<hbm>>
      %dma_wait3A_176 = arith.constant 0 : i32
      %dma_wait3A_177 = tpu.memref_slice %arg4[%dma_wait3A_176] : memref<104857600xf32, #tpu.memory_space<hbm>> -> memref<4096xf32, #tpu.memory_space<hbm>>
      %dma_wait3A_178 = arith.constant 0 : i32
      %dma_wait3A_179 = tpu.memref_slice %arg10[%dma_wait3A_178] : memref<16384xf32, #tpu.memory_space<vmem>> -> memref<4096xf32, #tpu.memory_space<vmem>>
      tpu.wait_dma2 semaphore(%arg14 : memref<!tpu.dma_semaphore, #tpu.memory_space<semaphore_mem>>) src(%dma_wait3A_179 : memref<4096xf32, #tpu.memory_space<vmem>>) dst(%dma_wait3A_177 : memref<4096xf32, #tpu.memory_space<hbm>>)
      %dma_wait3A_180 = arith.constant 4096 : i32
      %dma_wait3A_181 = tpu.memref_slice %arg10[%dma_wait3A_180] : memref<16384xf32, #tpu.memory_space<vmem>> -> memref<4096xf32, #tpu.memory_space<vmem>>
      %dma_wait3A_182 = arith.constant 0 : i32
      %dma_wait3A_183 = tpu.memref_slice %arg4[%dma_wait3A_182] : memref<104857600xf32, #tpu.memory_space<hbm>> -> memref<4096xf32, #tpu.memory_space<hbm>>
      %dma_wait3A_184 = arith.constant 0 : i32
      %dma_wait3A_185 = tpu.memref_slice %arg4[%dma_wait3A_184] : memref<104857600xf32, #tpu.memory_space<hbm>> -> memref<4096xf32, #tpu.memory_space<hbm>>
      %dma_wait3A_186 = arith.constant 4096 : i32
      %dma_wait3A_187 = tpu.memref_slice %arg10[%dma_wait3A_186] : memref<16384xf32, #tpu.memory_space<vmem>> -> memref<4096xf32, #tpu.memory_space<vmem>>
      tpu.wait_dma2 semaphore(%arg14 : memref<!tpu.dma_semaphore, #tpu.memory_space<semaphore_mem>>) src(%dma_wait3A_187 : memref<4096xf32, #tpu.memory_space<vmem>>) dst(%dma_wait3A_185 : memref<4096xf32, #tpu.memory_space<hbm>>)
      %dma_wait3A_188 = arith.constant 8192 : i32
      %dma_wait3A_189 = tpu.memref_slice %arg10[%dma_wait3A_188] : memref<16384xf32, #tpu.memory_space<vmem>> -> memref<4096xf32, #tpu.memory_space<vmem>>
      %dma_wait3A_190 = arith.constant 0 : i32
      %dma_wait3A_191 = tpu.memref_slice %arg4[%dma_wait3A_190] : memref<104857600xf32, #tpu.memory_space<hbm>> -> memref<4096xf32, #tpu.memory_space<hbm>>
      %dma_wait3A_192 = arith.constant 0 : i32
      %dma_wait3A_193 = tpu.memref_slice %arg4[%dma_wait3A_192] : memref<104857600xf32, #tpu.memory_space<hbm>> -> memref<4096xf32, #tpu.memory_space<hbm>>
      %dma_wait3A_194 = arith.constant 8192 : i32
      %dma_wait3A_195 = tpu.memref_slice %arg10[%dma_wait3A_194] : memref<16384xf32, #tpu.memory_space<vmem>> -> memref<4096xf32, #tpu.memory_space<vmem>>
      tpu.wait_dma2 semaphore(%arg14 : memref<!tpu.dma_semaphore, #tpu.memory_space<semaphore_mem>>) src(%dma_wait3A_195 : memref<4096xf32, #tpu.memory_space<vmem>>) dst(%dma_wait3A_193 : memref<4096xf32, #tpu.memory_space<hbm>>)
      %dma_wait3A_196 = arith.constant 12288 : i32
      %dma_wait3A_197 = tpu.memref_slice %arg10[%dma_wait3A_196] : memref<16384xf32, #tpu.memory_space<vmem>> -> memref<4096xf32, #tpu.memory_space<vmem>>
      %dma_wait3A_198 = arith.constant 0 : i32
      %dma_wait3A_199 = tpu.memref_slice %arg4[%dma_wait3A_198] : memref<104857600xf32, #tpu.memory_space<hbm>> -> memref<4096xf32, #tpu.memory_space<hbm>>
      %dma_wait3A_200 = arith.constant 0 : i32
      %dma_wait3A_201 = tpu.memref_slice %arg4[%dma_wait3A_200] : memref<104857600xf32, #tpu.memory_space<hbm>> -> memref<4096xf32, #tpu.memory_space<hbm>>
      %dma_wait3A_202 = arith.constant 12288 : i32
      %dma_wait3A_203 = tpu.memref_slice %arg10[%dma_wait3A_202] : memref<16384xf32, #tpu.memory_space<vmem>> -> memref<4096xf32, #tpu.memory_space<vmem>>
      tpu.wait_dma2 semaphore(%arg14 : memref<!tpu.dma_semaphore, #tpu.memory_space<semaphore_mem>>) src(%dma_wait3A_203 : memref<4096xf32, #tpu.memory_space<vmem>>) dst(%dma_wait3A_201 : memref<4096xf32, #tpu.memory_space<hbm>>)
    }
    %scan3A_123 = arith.constant 5 : i32
    return
  }
}

</mosaic_0001>

<sc_bundles>
// kernel: kernel.3.cloned.1.call-start
scs
__scs_entry_jumppad:
0x0: {  	(pc) =	sbr.rel $0x88, $3  }
0x1: {  	(tag) =	ssettag $0x0;
	lr =	simm.s32 $0x1  }
0x2: {  	[smem:$0x3F9F] =	sst lr;
	_ =	strace $0xD0000000  }
0x3: {  	_ = 	snop  }
0x4: {  	_ = 	snop  }
0x5: {  	_ = 	snop  }
0x6: {  	_ = 	snop  }
0x7: {  	_ = 	snop  }
__scs_overlays_trampoline_lowered:
0x8: {  	[smem:$0x3FAE] =	sst s0  }
0x9: {  	[smem:$0x3FAF] =	sst s1  }
0xa: {  	[smem:$0x3FB0] =	sst s2  }
0xb: {  	[smem:$0x3FB1] =	sst s3  }
0xc: {  	[smem:$0x3FB2] =	sst s4  }
0xd: {  	[smem:$0x3FB3] =	sst s5  }
0xe: {  	[smem:$0x3FB4] =	sst s6  }
0xf: {  	[smem:$0x3FB5] =	sst s7  }
0x10: {  	[smem:$0x3FB6] =	sst s8  }
0x11: {  	[smem:$0x3FB7] =	sst s9;
	s0 =	simm.s32 @!p0 $0x0  }
0x12: {  	s1 =	sld [smem:$0x3F9D];
	s0 =	simm.s32 @p0 $0x1  }
0x13: {  	[smem:$0x3FB8] =	sst s0;
	s0 =	simm.s32 @!p1 $0x0  }
0x14: {  	s2 =	sld [smem:$0x3F9C];
	s0 =	simm.s32 @p1 $0x1  }
0x15: {  	[smem:$0x3FB9] =	sst s0;
	s0 =	simm.s32 @!p2 $0x0  }
0x16: {  	s3 =	sld [smem:$0x3FDB];
	s0 =	simm.s32 @p2 $0x1  }
0x17: {  	s4 =	simm.s32 $0x1BF5;
	[smem:$0x3FBB] =	sst s0  }
0x18: {  	s0 =	sld [smem:$0x3F9E];
	_ =	swait.ge [sflag:s4], $0x0  }
0x19: {  	s7 =	sld [smem:$0x3F9F]  }
0x1a: {  	s8 =	sadd.s32 $0xFFFFE003, lr  }
0x1b: {  	s9 =	sadd.s32 $0xFFFFFEF7, lr;
	s5 =	simm.s32 $0xFFFFFFFF;
	p2 =	slt.u32 s8, $0xFFFFF086  }
0x1c: {  	p1 =	slt.u32 s9, $0xF7A;
	s5 =	simm.s32 @!p2 $0x0  }
0x1d: {  	s5 =	simm.s32 @p1 $0x1;
	p0 =	seq.s32 s7, s2  }
0x1e: {  	s7 =	smul.u32 @!p0 $0xF7A, s2;
	p2 =	seq.s32 @!p0 s5, $0x0  }
0x1f: {  	s9 =	smul.u32 $0xF7A, s1;
	s8 =	simm.s32 @!p0 $0x1BF5;
	p2 =	por !p2, p0  }
0x20: {  	[sflag:s8] =	ssyncset.s32 @!p0 $0xFFFFF086;
	s6 =	sadd.s32 @!p0 s3, s7;
	s7 =	simm.s32 @!p0 $0x108  }
0x21: {  	s3 =	sadd.s32 s3, s9;
	s6 =	sadd.s32 @!p0 $0x88, s6;
	s7 =	simm.s32 @p2 $0x1082  }
0x22: {  	[simem:s7], [sflag:s8] =	dma.local @!p0 [hbm:s6], $0xF7A  }
0x23: {  	s9 =	sor.u32 $0xD0000000, s2;
	s6 =	simm.s32 $0x108;
	_ =	swait.ge @!p0 [sflag:s8], $0x0  }
0x24: {  	s3 =	sadd.s32 $0x88, s3;
	s6 =	simm.s32 @!p1 $0x1082;
	[sflag:s4] =	ssyncset.s32 $0xFFFFF086  }
0x25: {  	[simem:s6], [sflag:s4] =	dma.local [hbm:s3], $0xF7A  }
0x26: {  	[smem:$0x3F9F] =	sst s1;
	(tag) =	ssettag s2;
	_ =	strace s9  }
0x27: {  	s1 =	sld [smem:$0x3FAF]  }
0x28: {  	s2 =	sld [smem:$0x3FB0]  }
0x29: {  	s4 =	sld [smem:$0x3FB2]  }
0x2a: {  	p0 =	seq.s32 s5, $0x0;
	s5 =	sld [smem:$0x3FB3]  }
0x2b: {  	s6 =	sld [smem:$0x3FB4]  }
0x2c: {  	s7 =	sld [smem:$0x3FB5]  }
0x2d: {  	s3 =	simm.s32 $0x108;
	s8 =	sld [smem:$0x3FB6]  }
0x2e: {  	s3 =	simm.s32 @!p0 $0x1082;
	s9 =	sld [smem:$0x3FB7]  }
0x2f: {  	lr =	sadd.s32 s0, s3;
	s0 =	sld [smem:$0x3FAE]  }
0x30: {  	s3 =	sld [smem:$0x3FB1]  }
0x31: {  	[smem:$0x3FBA] =	sst s10  }
0x32: {  	s10 =	sld [smem:$0x3FB8];
	_ =	sdelay $0x3  }
0x33: {  	p0 =	seq.s32 s10, $0x1;
	s10 =	sld [smem:$0x3FBA];
	_ =	sdelay $0x3  }
0x34: {  	[smem:$0x3FBA] =	sst s10  }
0x35: {  	s10 =	sld [smem:$0x3FB9];
	_ =	sdelay $0x3  }
0x36: {  	p1 =	seq.s32 s10, $0x1;
	s10 =	sld [smem:$0x3FBA];
	_ =	sdelay $0x3  }
0x37: {  	[smem:$0x3FBA] =	sst s10  }
0x38: {  	s10 =	sld [smem:$0x3FBB]  }
0x39: {  	_ = 	snop;
	(pc) =	sbr.ind lr, $3  }
0x3a: {  	_ = 	snop  }
0x3b: {  	_ = 	snop  }
0x3c: {  	p2 =	seq.s32 s10, $0x1;
	s10 =	sld [smem:$0x3FBA]  }
0x3d: {  	_ =	shalt  }
0x3e: {  	_ =	shalt  }
0x3f: {  	_ =	shalt  }
0x40: {  	_ =	shalt  }
0x41: {  	_ =	shalt  }
0x42: {  	_ =	shalt  }
0x43: {  	_ =	shalt  }
0x44: {  	_ =	shalt  }
0x45: {  	_ =	shalt  }
0x46: {  	_ =	shalt  }
0x47: {  	_ =	shalt  }
0x48: {  	_ =	shalt  }
0x49: {  	_ =	shalt  }
0x4a: {  	_ =	shalt  }
0x4b: {  	_ =	shalt  }
0x4c: {  	_ =	shalt  }
0x4d: {  	_ =	shalt  }
0x4e: {  	_ =	shalt  }
0x4f: {  	_ =	shalt  }
0x50: {  	_ =	shalt  }
0x51: {  	_ =	shalt  }
0x52: {  	_ =	shalt  }
0x53: {  	_ =	shalt  }
0x54: {  	_ =	shalt  }
0x55: {  	_ =	shalt  }
0x56: {  	_ =	shalt  }
0x57: {  	_ =	shalt  }
0x58: {  	_ =	shalt  }
0x59: {  	_ =	shalt  }
0x5a: {  	_ =	shalt  }
0x5b: {  	_ =	shalt  }
0x5c: {  	_ =	shalt  }
0x5d: {  	_ =	shalt  }
0x5e: {  	_ =	shalt  }
0x5f: {  	_ =	shalt  }
0x60: {  	_ =	shalt  }
0x61: {  	_ =	shalt  }
0x62: {  	_ =	shalt  }
0x63: {  	_ =	shalt  }
0x64: {  	_ =	shalt  }
0x65: {  	_ =	shalt  }
0x66: {  	_ =	shalt  }
0x67: {  	_ =	shalt  }
0x68: {  	_ =	shalt  }
0x69: {  	_ =	shalt  }
0x6a: {  	_ =	shalt  }
0x6b: {  	_ =	shalt  }
0x6c: {  	_ =	shalt  }
0x6d: {  	_ =	shalt  }
0x6e: {  	_ =	shalt  }
0x6f: {  	_ =	shalt  }
0x70: {  	_ =	shalt  }
0x71: {  	_ =	shalt  }
0x72: {  	_ =	shalt  }
0x73: {  	_ =	shalt  }
0x74: {  	_ =	shalt  }
0x75: {  	_ =	shalt  }
0x76: {  	_ =	shalt  }
0x77: {  	_ =	shalt  }
0x78: {  	_ =	shalt  }
0x79: {  	_ =	shalt  }
0x7a: {  	_ =	shalt  }
0x7b: {  	_ =	shalt  }
0x7c: {  	_ =	shalt  }
0x7d: {  	_ =	shalt  }
0x7e: {  	_ =	shalt  }
0x7f: {  	_ =	shalt  }
0x80: {  	_ =	shalt  }
0x81: {  	_ =	shalt  }
0x82: {  	_ =	shalt  }
0x83: {  	_ =	shalt  }
0x84: {  	_ =	shalt  }
0x85: {  	_ =	shalt  }
0x86: {  	_ =	shalt  }
0x87: {  	_ =	shalt  }
.Lfunc_end0:
.L_simem_size_0:
called_computation_lowered:
.L_overlay_start_0:
0x88: {  	s2 =	sld [smem:$0x3FD9]  }
0x89: {  	s3 =	sld [smem:$0x3FFE];
	_ =	sdelay $0x1  }
0x8a: {  	s1 =	srdreg.scid  }
0x8b: {  	s0 =	sand.u32 $0x1, s1  }
0x8c: {  	s17 =	sshll.u32 s0, $0xA;
	s2 =	sadd.s32 s3, s2  }
0x8d: {  	s2 =	sadd.s32 s2, s17  }
0x8e: {  	[smem:$0x3FC6] =	sst s2  }
0x8f: {  	_ = 	snop  }
0x90: {  	s2 =	sld [smem:$0x3FD0];
	(tm) =	ssettm $0x1  }
0x91: {  	s18 =	sld [smem:$0x3FFB];
	_ =	sdelay $0x3  }
0x92: {  	_ =	strace s18  }
0x93: {  	s3 =	sld [smem:$0x3FFC];
	_ =	sdelay $0x3  }
0x94: {  	_ =	strace s3  }
0x95: {  	s3 =	sld [smem:$0x3FFD];
	_ =	sdelay $0x3  }
0x96: {  	_ =	strace s3  }
0x97: {  	_ =	strace $0x8FFFFFFF  }
0x98: {  	s19 =	sld [smem:$0x3FDB];
	_ =	sdelay $0x1  }
0x99: {  	s4 =	simm.s32 $_scs_section_size  }
0x9a: {  	s5 =	simm.s32 $_size__tile_overlayer_lowered;
	s6 =	simm.s32 $_tile_overlayer_lowered  }
0x9b: {  	s22 =	simm.s32 $0x1BFF;
	s21 =	sshll.u32 s6, $0x1;
	s3 =	sadd.s32 s4, s19  }
0x9c: {  	s7 =	simm.s32 $0x0;
	s20 =	sshll.u32 s5, $0x1;
	s5 =	sadd.s32 s21, s3  }
0x9d: {  	[timem:s7], [sflag:s22] =	dma.local [hbm:s5], s20  }
0x9e: {  	_ =	swait.ge [sflag:s22], s20  }
0x9f: {  	s4 =	ssub.s32 $0x0, s20;
	[sflag:s22] =	ssyncset.done $0x0  }
0xa0: {  	[sflag:s22] =	ssyncadd.s32 s4;
	_ =	sdelay $0x1  }
0xa1: {  	s23 =	simm.s32 $0x1B8B  }
0xa2: {  	_ =	swait.ge [sflag:s23], $0x1  }
0xa3: {  	[sflag:s23] =	ssyncset.done $0x0  }
0xa4: {  	s25 =	simm.s32 $0x1B8E;
	s24 =	sld [smem:$0x3FFE];
	[sflag:s23] =	ssyncadd.s32 $0xFFFFFFFF  }
0xa5: {  	s26 =	simm.s32 $execute0_lowered;
	[smem:$0x3FD2] =	sst s25  }
0xa6: {  	s5 =	sshll.u32 s26, $0x1;
	_ =	strace $0x80000046;
	[dreg:$0x1] =	wrdreg $0xFFFFFFFF  }
0xa7: {  	s28 =	simm.s32 $_size_execute0_lowered;
	s3 =	sadd.s32 s3, s5;
	[dreg:$0x0] =	wrdreg $0x0  }
0xa8: {  	s5 =	sshll.u32 s28, $0x1;
	[dreg:$0x2] =	wrdreg s3  }
0xa9: {  	[dreg:$0x3] =	wrdreg s5  }
0xaa: {  	[dreg:$0x4] =	wrdreg $0xC0  }
0xab: {  	_ =	task [dreg:s7], $0x5FFFF  }
0xac: {  	[dreg:$0x1] =	wrdreg $0xFFFFFFFF  }
0xad: {  	[dreg:$0x0] =	wrdreg $0x60  }
0xae: {  	[dreg:$0x2] =	wrdreg s24  }
0xaf: {  	[dreg:$0x3] =	wrdreg s2  }
0xb0: {  	[dreg:$0x4] =	wrdreg $0x9  }
0xb1: {  	_ =	task.clear_ibuf [dreg:s7], $0x5FFFF;
	_ =	strace $0x90000046  }
0xb2: {  	s29 =	simm.s32 $0x9;
	_ =	strace $0x80000048  }
0xb3: {  	_ =	swait.ge [sflag:s29], $0x1  }
0xb4: {  	[sflag:s29] =	ssyncadd.s32 $0xFFFFFFFF  }
0xb5: {  	_ =	strace $0x90000048  }
0xb6: {  	_ =	sfence  }
0xb7: {  	s30 =	sld [smem:$0x0];
	_ =	sdelay $0x2  }
0xb8: {  	s31 =	sshll.u32 s1, $0xD;
	s1 =	sshrl.u32 s1, $0x2  }
0xb9: {  	s3 =	sand.u32 $0x4000, s31;
	s1 =	sadd.s32 s1, s30  }
0xba: {  	s0 =	sor.u32 s3, s0;
	s1 =	sshll.u32 s1, $0x11  }
0xbb: {  	s0 =	sor.u32 s1, s0  }
0xbc: {  	s0 =	sadd.s32 $0x8F2B, s0  }
0xbd: {  	[sflag:s0] =	ssyncadd.remote.s32 $0x1  }
0xbe: {  	_ =	sfence.sel $0xFFFF  }
0xbf: {  	[dreg:$0x0] =	wrdreg $0xFFFFFFFF;
	(pc) =	sbr.abs _section_cstart, $3  }
0xc0: {  	[dreg:$0x1] =	wrdreg $0xFFFFFFFF  }
0xc1: {  	_ =	task.clear_ibuf [dreg:s7], $0x2FFFF;
	_ =	strace $0x9FFFFFFF  }
0xc2: {  	(tm) =	ssettm $0x7FFFFFFF  }
0xc3: {  	_ =	shalt  }
tec
execute0_lowered:
.L_overlay_start_1:
0x0: {  	(tag) =	ssettag $0x1  }
0x1: {  	v0 =	vlaneseq.u32;
	v1 =	vimm.s32 $0x0  }
0x2: {  	v2 =	vimm.s32 $0x1380;
	vm0 =	vcmask $0x300;
	v3 =	vimm.s32 $0x3380  }
0x3: {  	vm1 =	vcmask $0x704;
	v2 =	vsel vm0, $0x0, v2;
	v3 =	vsel vm0, $0x2000, v3  }
0x4: {  	vm15 =	vcmask $0xB08;
	v2 =	vsel vm1, $0x80, v2;
	v3 =	vsel vm1, $0x2080, v3  }
0x5: {  	vm4 =	vcmask $0xF0C;
	v2 =	vsel vm15, $0x100, v2;
	v3 =	vsel vm15, $0x2100, v3  }
0x6: {  	vm5 =	vcmask $0x1310;
	v2 =	vsel vm4, $0x180, v2;
	v3 =	vsel vm4, $0x2180, v3  }
0x7: {  	s0 =	rddreg [dreg:$0x0];
	vm6 =	vcmask $0x1714;
	v2 =	vsel vm5, $0x200, v2;
	v3 =	vsel vm5, $0x2200, v3  }
0x8: {  	s30 =	rddreg [dreg:$0x1];
	s2 =	simm.s32 $0x0;
	vm7 =	vcmask $0x1B18;
	v2 =	vsel vm6, $0x280, v2;
	v3 =	vsel vm6, $0x2280, v3  }
0x9: {  	s1 =	srdreg.scid;
	s4 =	stileid.u32;
	vm8 =	vcmask $0x1F1C;
	s15 =	simm.s32 $0x5000;
	v2 =	vsel vm7, $0x300, v2;
	v3 =	vsel vm7, $0x2300, v3  }
0xa: {  	vm9 =	vcmask $0x2320;
	s20 =	simm.s32 $0x12000;
	s25 =	simm.s32 $0x16000;
	[smem:$0x7FF] =	sst s2;
	v2 =	vsel vm8, $0x380, v2;
	v3 =	vsel vm8, $0x2380, v3  }
0xb: {  	vm10 =	vcmask $0x2724;
	s1 =	sand.u32 $0x1, s1;
	s4 =	sshll.u32 s4, $0xA;
	s5 =	sadd.s32 $0x600, s0;
	v2 =	vsel vm9, $0x1000, v2;
	v3 =	vsel vm9, $0x3000, v3  }
0xc: {  	vm11 =	vcmask $0x2B28;
	s0 =	sadd.s32 $0xF42A00, s0;
	s3 =	ssub.s32 $0x2, s1;
	s1 =	sshll.u32 s1, $0x9;
	v2 =	vsel vm10, $0x1080, v2;
	v3 =	vsel vm10, $0x3080, v3  }
0xd: {  	vm12 =	vcmask $0x2F2C;
	_ =	strace $0x80000047;
	[dreg:$0x3] =	wrdreg s5;
	s1 =	sor.u32 s1, s4;
	v2 =	vsel vm11, $0x1100, v2;
	v3 =	vsel vm11, $0x3100, v3  }
0xe: {  	vm13 =	vcmask $0x3330;
	s7 =	sshrl.u32 s3, $0x1;
	[dreg:$0x4] =	wrdreg s1;
	s1 =	smul.u32 $0xC8, s1;
	v2 =	vsel vm12, $0x1180, v2;
	v3 =	vsel vm12, $0x3180, v3  }
0xf: {  	vm14 =	vcmask $0x3734;
	s10 =	sadd.s32 $0x4000, s30;
	[dreg:$0x6] =	wrdreg s0;
	s29 =	ssub.s32 s3, s7;
	v2 =	vsel vm13, $0x1200, v2;
	v3 =	vsel vm13, $0x3200, v3  }
0x10: {  	s6 =	sadd.s32 $0x8000, s30;
	vm15 =	vcmask $0x3B38;
	s0 =	smax.u32 s29, $0x1;
	[dreg:$0x5] =	wrdreg s1;
	v4 =	vsel vm14, $0x1280, v2;
	v5 =	vsel vm14, $0x3280, v3  }
0x11: {  	s31 =	sadd.s32 $0xC000, s30;
	[dreg:$0x7] =	wrdreg s0;
	s1 =	simm.s32 $0x0;
	v2 =	vand.u32 $0x7, v0;
	v3 =	vsel vm15, $0x1300, v4;
	v4 =	vsel vm15, $0x3300, v5  }
.LBB2_1:
0x12: {  	[dreg:$0x8] =	wrdreg s1;
	s5 =	simm.s32 $0x0  }
.LBB2_2:
0x13: {  	s0 =	simm.s32 $0x70  }
0x14: {  	s1 =	simm.s32 $0x0;
	v5 =	vor.u32 s0, v0  }
0x15: {  	s3 =	simm.s32 $0x10;
	v6 =	vor.u32 s1, v0;
	v8 =	vmulhi.u32 $0xCCCCCCCD, v5  }
0x16: {  	s17 =	simm.s32 $0x20;
	s18 =	simm.s32 $0x30;
	v7 =	vor.u32 s3, v0;
	v9 =	vmulhi.u32 $0xCCCCCCCD, v6  }
0x17: {  	s19 =	simm.s32 $0x40;
	s21 =	simm.s32 $0x50;
	v10 =	vor.u32 s17, v0;
	v11 =	vor.u32 s18, v0;
	v15 =	vmulhi.u32 $0xCCCCCCCD, v7  }
0x18: {  	s4 =	simm.s32 $0x60;
	v12 =	vor.u32 s19, v0;
	v13 =	vor.u32 s21, v0;
	v17 =	vmulhi.u32 $0xCCCCCCCD, v10  }
0x19: {  	v14 =	vor.u32 s4, v0;
	v19 =	vmov s1;
	v21 =	vmulhi.u32 $0xCCCCCCCD, v11  }
0x1a: {  	v20 =	vsub.s32 $0x0, v6;
	vm0 =	veq.s32 v19, v0;
	v19 =	vmulhi.u32 $0xCCCCCCCD, v13  }
0x1b: {  	v22 =	vmulhi.u32 $0xCCCCCCCD, v14;
	v9 =	vshrl.u32 v9, $0x5;
	v16 =	vshrl.u32 v8, $0x5  }
0x1c: {  	v15 =	vshrl.u32 v15, $0x5;
	v17 =	vshrl.u32 v17, $0x5;
	v19 =	vshrl.u32 v19, $0x5  }
0x1d: {  	v22 =	vshrl.u32 v22, $0x5;
	v8 =	vmul.u32 $0xFFFFFFD8, v9;
	v18 =	vmul.u32 $0x28, v16  }
0x1e: {  	v23 =	vmul.u32 $0x28, v15;
	v24 =	vmul.u32 $0x28, v17;
	v27 =	vmul.u32 $0x28, v19  }
0x1f: {  	v29 =	vmul.u32 $0x28, v22;
	v53 =	vand.u32 $0x3FFFFF8, v17;
	v57 =	vand.u32 $0x3FFFFF8, v22  }
0x20: {  	v58 =	vand.u32 $0x3FFFFF8, v16;
	v62 =	vand.u32 $0x7, v22;
	vm1 =	vne.s32 v8, v20  }
0x21: {  	v8 =	vmulhi.u32 $0xCCCCCCCD, v12;
	v7 =	vsub.s32 v7, v23;
	v10 =	vsub.s32 v10, v24  }
0x22: {  	v13 =	vsub.s32 v13, v27;
	v14 =	vsub.s32 v14, v29;
	v5 =	vsub.s32 v5, v18  }
0x23: {  	vm0 =	vmand vm0, vm1;
	v47 =	vand.u32 $0xFFFFFFF8, v7;
	v30 =	vand.u32 $0xFFFFFFF8, v10  }
0x24: {  	v33 =	vand.u32 $0xFFFFFFF8, v13;
	v34 =	vand.u32 $0xFFFFFFF8, v14;
	v35 =	vand.u32 $0xFFFFFFF8, v5  }
0x25: {  	v7 =	vshll.u32 v7, $0x9;
	v20 =	vsel vm0, $0xFFFFFFFF, v1;
	v46 =	vshrl.u32 v8, $0x5  }
0x26: {  	v23 =	vadd.s32 v23, v47;
	v24 =	vadd.s32 v24, v30;
	v49 =	vadd.s32 v27, v33  }
0x27: {  	v50 =	vadd.s32 v29, v34;
	v18 =	vadd.s32 v18, v35;
	v9 =	vadd.s32 v20, v9  }
0x28: {  	v20 =	vshrl.u32 v21, $0x5;
	v26 =	vmul.u32 $0x28, v46;
	v23 =	vor.u32 v2, v23  }
0x29: {  	v24 =	vor.u32 v2, v24;
	v52 =	vor.u32 v2, v18;
	v18 =	vand.u32 $0x3FFFFF8, v15  }
0x2a: {  	[dreg:$0x9] =	wrdreg s5;
	s22 =	smul.u32 $0x28, s5;
	v55 =	vand.u32 $0x3FFFFF8, v46;
	v8 =	vmul.u32 $0x28, v9;
	v25 =	vmul.u32 $0x28, v20  }
0x2b: {  	s23 =	rddreg [dreg:$0x5];
	v36 =	vand.u32 $0xFFFFFFF8, v9;
	v9 =	vand.u32 $0x7, v9;
	v54 =	vand.u32 $0x3FFFFF8, v20  }
0x2c: {  	s24 =	rddreg [dreg:$0x3];
	s0 =	sadd.s32 s23, s22;
	v18 =	vadd.s32 v18, v7;
	v12 =	vsub.s32 v12, v26;
	v6 =	vsub.s32 v6, v8  }
0x2d: {  	s26 =	simm.s32 $0x28;
	s28 =	simm.s32 $0xC8;
	s0 =	sshrl.u32 s0, $0x3;
	v11 =	vsub.s32 v11, v25;
	v32 =	vand.u32 $0xFFFFFFF8, v12;
	v12 =	vshll.u32 v12, $0x9  }
0x2e: {  	s29 =	simm.s32 $0x5;
	[dreg:$0xa] =	wrdreg s22;
	s0 =	sadd.s32 s24, s0;
	v28 =	vand.u32 $0xFFFFFFF8, v6;
	v31 =	vand.u32 $0xFFFFFFF8, v11;
	v6 =	vshll.u32 v6, $0x9  }
0x2f: {  	[tilespmem:s2], [sflag:$0x5] =	stream.strided.gather [hbm4b:s0+s26], $0x5000, s28, s26, $0x38;
	v11 =	vshll.u32 v11, $0x9;
	v12 =	vadd.s32 v55, v12;
	v8 =	vadd.s32 v8, v28;
	[tilespmem:$0x1A000] =	vst v63  }
0x30: {  	_ =	swait.ge [sflag:s29], $0x5000;
	v6 =	vadd.s32 v36, v6;
	v60 =	vadd.s32 v54, v11;
	v8 =	vor.u32 v2, v8  }
0x31: {  	[sflag:s29] =	ssyncset.done $0x0;
	v11 =	vand.u32 $0x7, v15;
	v15 =	vand.u32 $0x7, v17;
	v17 =	vand.u32 $0x7, v20  }
0x32: {  	[sflag:s29] =	ssyncadd.s32 $0xFFFFB000;
	v48 =	vor.u32 v9, v6;
	v6 =	vadd.s32 v25, v31;
	v25 =	vor.u32 v2, v49  }
0x33: {  	v7 =	vld.idx.msk [tilespmem:v24+s2+$0x0], $0xffff;
	v20 =	vand.u32 $0x7, v46;
	v9 =	vadd.s32 v26, v32;
	v26 =	vor.u32 v2, v50  }
0x34: {  	v63 =	vand.u32 $0x7, v16;
	v16 =	vor.u32 v20, v12;
	v12 =	vld.idx.msk [tilespmem:v52+s2+$0x0], $0xffff;
	v51 =	vor.u32 v2, v6  }
0x35: {  	v10 =	vshll.u32 v10, $0x9;
	v14 =	vshll.u32 v14, $0x9;
	v9 =	vor.u32 v2, v9;
	v56 =	vld.idx.msk [tilespmem:v8+s2+$0x0], $0xffff  }
0x36: {  	v13 =	vshll.u32 v13, $0x9;
	v5 =	vshll.u32 v5, $0x9;
	v14 =	vadd.s32 v57, v14;
	v6 =	vld.idx.msk [tilespmem:v23+s2+$0x0], $0xffff  }
0x37: {  	v59 =	vadd.s32 v53, v10;
	v61 =	vadd.s32 v58, v5;
	v14 =	vor.u32 v62, v14;
	v10 =	vld.idx.msk [tilespmem:v25+s2+$0x0], $0xffff  }
0x38: {  	v18 =	vor.u32 v11, v18;
	v5 =	vor.u32 v15, v59;
	v8 =	vand.u32 $0x3FFFFF8, v19;
	v11 =	vld.idx.msk [tilespmem:v26+s2+$0x0], $0xffff  }
0x39: {  	v17 =	vor.u32 v17, v60;
	v19 =	vand.u32 $0x7, v19;
	v13 =	vadd.s32 v8, v13;
	v8 =	vld.idx.msk [tilespmem:v51+s2+$0x0], $0xffff  }
0x3a: {  	s3 =	simm.s32 $0xF0;
	s0 =	simm.s32 $0x0;
	v9 =	vld.idx.msk [tilespmem:v9+s2+$0x0], $0xffff;
	v15 =	vor.u32 v19, v13;
	v13 =	vor.u32 v63, v61;
	[tilespmem:v48+s15+$0x0] =	vst.idx.msk $0xffff, v56  }
.LBB2_3:
0x3b: {  	s1 =	sadd.s32 $0xFFFFFF90, s3;
	s4 =	sadd.s32 $0xFFFFFFA0, s3;
	v19 =	vor.u32 s3, v0;
	s0 =	sadd.s32 $0x8, s0  }
0x3c: {  	s7 =	sadd.s32 $0xFFFFFFC0, s3;
	v20 =	vor.u32 s1, v0;
	v21 =	vor.u32 s4, v0;
	s4 =	sadd.s32 $0xFFFFFFB0, s3;
	v22 =	vmulhi.u32 $0xCCCCCCCD, v19;
	p0 =	slt.u32 s0, $0x4F8  }
0x3d: {  	s12 =	sadd.s32 $0xFFFFFFF0, s3;
	v25 =	vor.u32 s7, v0;
	s7 =	sadd.s32 $0xFFFFFFE0, s3;
	v23 =	vmulhi.u32 $0xCCCCCCCD, v20;
	v24 =	vor.u32 s4, v0;
	s4 =	sadd.s32 $0xFFFFFFD0, s3;
	[tilespmem:v18+s15+$0x0] =	vst.idx.msk $0xffff, v6  }
0x3e: {  	v26 =	vor.u32 s12, v0;
	v18 =	vor.u32 s7, v0;
	v6 =	vor.u32 s4, v0;
	[tilespmem:v5+s15+$0x0] =	vst.idx.msk $0xffff, v7  }
0x3f: {  	v5 =	vshrl.u32 v22, $0x5;
	v7 =	vshrl.u32 v23, $0x5;
	v23 =	vmulhi.u32 $0xCCCCCCCD, v21;
	[tilespmem:v17+s15+$0x0] =	vst.idx.msk $0xffff, v8  }
0x40: {  	v17 =	vmulhi.u32 $0xCCCCCCCD, v24;
	v22 =	vmul.u32 $0x28, v5;
	v8 =	vmul.u32 $0xFFFFFFD8, v7;
	[tilespmem:v16+s15+$0x0] =	vst.idx.msk $0xffff, v9  }
0x41: {  	v27 =	vmulhi.u32 $0xCCCCCCCD, v25;
	v9 =	vmov s1;
	v16 =	vsub.s32 $0x0, v20;
	[tilespmem:v15+s15+$0x0] =	vst.idx.msk $0xffff, v10  }
0x42: {  	vm0 =	veq.s32 v9, v0;
	vm1 =	vne.s32 v8, v16;
	v8 =	vmulhi.u32 $0xCCCCCCCD, v6;
	[tilespmem:v14+s15+$0x0] =	vst.idx.msk $0xffff, v11  }
0x43: {  	v10 =	vshrl.u32 v23, $0x5;
	v9 =	vmulhi.u32 $0xCCCCCCCD, v18;
	vm0 =	vmand vm0, vm1;
	[tilespmem:v13+s15+$0x0] =	vst.idx.msk $0xffff, v12  }
0x44: {  	v12 =	vshrl.u32 v17, $0x5;
	v13 =	vmulhi.u32 $0xCCCCCCCD, v26;
	v11 =	vsel vm0, $0xFFFFFFFF, v1  }
0x45: {  	v14 =	vshrl.u32 v8, $0x5;
	v7 =	vadd.s32 v11, v7;
	v11 =	vshrl.u32 v27, $0x5  }
0x46: {  	v15 =	vshrl.u32 v9, $0x5;
	v13 =	vshrl.u32 v13, $0x5;
	v8 =	vmul.u32 $0x28, v7  }
0x47: {  	v9 =	vmul.u32 $0x28, v10;
	v16 =	vmul.u32 $0x28, v12;
	v17 =	vmul.u32 $0x28, v11  }
0x48: {  	v23 =	vmul.u32 $0x28, v14;
	v27 =	vmul.u32 $0x28, v15;
	v20 =	vsub.s32 v20, v8  }
0x49: {  	v21 =	vsub.s32 v21, v9;
	v29 =	vmul.u32 $0x28, v13;
	v28 =	vand.u32 $0xFFFFFFF8, v20  }
0x4a: {  	v24 =	vsub.s32 v24, v16;
	v25 =	vsub.s32 v25, v17;
	v8 =	vadd.s32 v8, v28  }
0x4b: {  	v6 =	vsub.s32 v6, v23;
	v18 =	vsub.s32 v18, v27;
	v8 =	vor.u32 v2, v8  }
0x4c: {  	v19 =	vsub.s32 v19, v22;
	v26 =	vsub.s32 v26, v29;
	v28 =	vand.u32 $0xFFFFFFF8, v21  }
0x4d: {  	v30 =	vand.u32 $0xFFFFFFF8, v24;
	v32 =	vand.u32 $0xFFFFFFF8, v6;
	v31 =	vand.u32 $0xFFFFFFF8, v25  }
0x4e: {  	v35 =	vand.u32 $0xFFFFFFF8, v19;
	v33 =	vand.u32 $0xFFFFFFF8, v18;
	v34 =	vand.u32 $0xFFFFFFF8, v26  }
0x4f: {  	v36 =	vand.u32 $0xFFFFFFF8, v7;
	v20 =	vshll.u32 v20, $0x9;
	v9 =	vadd.s32 v9, v28  }
0x50: {  	v7 =	vand.u32 $0x7, v7;
	v16 =	vadd.s32 v16, v30;
	v20 =	vadd.s32 v36, v20;
	v8 =	vld.idx.msk [tilespmem:v8+s2+$0x0], $0xffff  }
0x51: {  	v17 =	vadd.s32 v17, v31;
	v7 =	vor.u32 v7, v20;
	v20 =	vadd.s32 v23, v32  }
0x52: {  	v22 =	vadd.s32 v22, v35;
	v23 =	vadd.s32 v27, v33;
	v27 =	vadd.s32 v29, v34  }
0x53: {  	v16 =	vor.u32 v2, v16;
	v17 =	vor.u32 v2, v17;
	v9 =	vor.u32 v2, v9  }
0x54: {  	v20 =	vor.u32 v2, v20;
	v23 =	vor.u32 v2, v23;
	v27 =	vor.u32 v2, v27  }
0x55: {  	v22 =	vor.u32 v2, v22;
	v24 =	vshll.u32 v24, $0x9;
	v21 =	vshll.u32 v21, $0x9  }
0x56: {  	v18 =	vshll.u32 v18, $0x9;
	v25 =	vshll.u32 v25, $0x9;
	v28 =	vshll.u32 v6, $0x9;
	[tilespmem:v7+s15+$0x0] =	vst.idx.msk $0xffff, v8  }
0x57: {  	v19 =	vshll.u32 v19, $0x9;
	v26 =	vshll.u32 v26, $0x9;
	v8 =	vand.u32 $0x3FFFFF8, v10  }
0x58: {  	v30 =	vand.u32 $0x3FFFFF8, v14;
	v29 =	vand.u32 $0x3FFFFF8, v11;
	v6 =	vld.idx.msk [tilespmem:v9+s2+$0x0], $0xffff;
	v9 =	vand.u32 $0x3FFFFF8, v12  }
0x59: {  	v31 =	vand.u32 $0x3FFFFF8, v13;
	v32 =	vand.u32 $0x3FFFFF8, v5;
	v7 =	vld.idx.msk [tilespmem:v16+s2+$0x0], $0xffff;
	v16 =	vand.u32 $0x3FFFFF8, v15  }
0x5a: {  	v21 =	vadd.s32 v8, v21;
	v24 =	vadd.s32 v9, v24;
	v8 =	vld.idx.msk [tilespmem:v17+s2+$0x0], $0xffff;
	v17 =	vadd.s32 v29, v25  }
0x5b: {  	v26 =	vadd.s32 v31, v26;
	v25 =	vadd.s32 v16, v18;
	v9 =	vld.idx.msk [tilespmem:v20+s2+$0x0], $0xffff;
	v20 =	vadd.s32 v30, v28  }
.Ltmp0:
0x5c: {  	v19 =	vadd.s32 v32, v19;
	v16 =	vand.u32 $0x7, v10;
	v28 =	vand.u32 $0x7, v12;
	v10 =	vld.idx.msk [tilespmem:v23+s2+$0x0], $0xffff;
	(pc) =	sbr.rel @p0 .LBB2_3-.Ltmp0, $4  }
0x5d: {  	v14 =	vand.u32 $0x7, v14;
	v15 =	vand.u32 $0x7, v15;
	v23 =	vand.u32 $0x7, v11;
	v11 =	vld.idx.msk [tilespmem:v27+s2+$0x0], $0xffff  }
0x5e: {  	v13 =	vand.u32 $0x7, v13;
	v18 =	vor.u32 v16, v21;
	v21 =	vand.u32 $0x7, v5;
	v12 =	vld.idx.msk [tilespmem:v22+s2+$0x0], $0xffff  }
0x5f: {  	v5 =	vor.u32 v28, v24;
	v16 =	vor.u32 v14, v20;
	v17 =	vor.u32 v23, v17  }
0x60: {  	s3 =	sadd.s32 $0x80, s3;
	v15 =	vor.u32 v15, v25;
	v14 =	vor.u32 v13, v26;
	v13 =	vor.u32 v21, v19  }
0x61: {  	_ =	sdelay $0x3  }
0x62: {  	[tilespmem:v18+s15+$0x0] =	vst.idx.msk $0xffff, v6  }
0x63: {  	[tilespmem:v5+s15+$0x0] =	vst.idx.msk $0xffff, v7  }
0x64: {  	[tilespmem:v17+s15+$0x0] =	vst.idx.msk $0xffff, v8  }
0x65: {  	[tilespmem:v16+s15+$0x0] =	vst.idx.msk $0xffff, v9  }
0x66: {  	[tilespmem:v15+s15+$0x0] =	vst.idx.msk $0xffff, v10  }
0x67: {  	[tilespmem:v14+s15+$0x0] =	vst.idx.msk $0xffff, v11  }
0x68: {  	s1 =	simm.s32 $0x200;
	[tilespmem:v13+s15+$0x0] =	vst.idx.msk $0xffff, v12  }
0x69: {  	s3 =	simm.s32 $0xA000;
	s12 =	simm.s32 $0x0;
	s0 =	rddreg [dreg:$0x6]  }
0x6a: {  	[tilespmem:s3], [sflag:$0x1] =	stream.indirect.gather [hbm4b:s0+s1], $0x20, s15, s1, $0xb8;
	[tilespmem:$0x1A000] =	vst v63  }
.LBB2_5:
0x6b: {  	s13 =	sshllo.u32 s12, $0x1;
	s1 =	simm.s32 $0x1;
	s3 =	simm.s32 $0x200  }
0x6c: {  	s4 =	simm.s32 $0xE000;
	_ =	swait.ge [sflag:s1], $0x4000;
	s0 =	sshll.u32 s13, $0x9  }
0x6d: {  	p0 =	seq.s32 s12, $0x0;
	[sflag:s1] =	ssyncset.done $0x0;
	s0 =	sand.u32 $0x3FFFFE00, s0  }
0x6e: {  	s7 =	rddreg [dreg:$0x6];
	[sflag:s1] =	ssyncadd.s32 $0xFFFFC000;
	s0 =	sadd.s32 $0x5000, s0  }
0x6f: {  	[tilespmem:s4], [sflag:$0x2] =	stream.indirect.gather [hbm4b:s7+s3], $0x20, s0, s3, $0xb8;
	[tilespmem:$0x1A000] =	vst v63  }
0x70: {  	s0 =	simm.s32 @!p0 $0x3  }
0x71: {  	_ =	swait.ge @!p0 [sflag:s0], $0x1000  }
0x72: {  	[sflag:s0] =	ssyncset.done @!p0 $0x0  }
0x73: {  	[sflag:s0] =	ssyncadd.s32 @!p0 $0xFFFFF000  }
0x74: {  	_ =	swait.ge @!p0 [sflag:s0], $0x1000  }
0x75: {  	[sflag:s0] =	ssyncset.done @!p0 $0x0  }
0x76: {  	[sflag:s0] =	ssyncadd.s32 @!p0 $0xFFFFF000  }
0x77: {  	_ =	swait.ge @!p0 [sflag:s0], $0x1000  }
0x78: {  	[sflag:s0] =	ssyncset.done @!p0 $0x0  }
0x79: {  	[sflag:s0] =	ssyncadd.s32 @!p0 $0xFFFFF000  }
0x7a: {  	_ =	swait.ge @!p0 [sflag:s0], $0x1000  }
0x7b: {  	[sflag:s0] =	ssyncset.done @!p0 $0x0  }
0x7c: {  	s4 =	simm.s32 $0xA100;
	[sflag:s0] =	ssyncadd.s32 @!p0 $0xFFFFF000  }
0x7d: {  	s11 =	smov.u32 s6;
	s6 =	smov.u32 s10;
	s10 =	smov.u32 s30;
	v5 =	vld [tilespmem:s4+$0xC0]  }
0x7e: {  	s8 =	simm.s32 $0x3;
	s14 =	simm.s32 $0x0;
	s16 =	simm.s32 $0x4;
	v7 =	vld [tilespmem:s4+$0xFFFFFF20]  }
0x7f: {  	s17 =	simm.s32 $0x0;
	s21 =	sand.u32 $0x74, s16;
	s7 =	sand.u32 $0xC00, s14;
	v6 =	vld [tilespmem:s4+$0xA0]  }
0x80: {  	s22 =	sand.u32 $0x70, s17;
	s14 =	simm.s32 $0x6;
	s16 =	sor.u32 s21, s7;
	v8 =	vld [tilespmem:s4+$0xFFFFFF00]  }
0x81: {  	s9 =	simm.s32 $0xD;
	s1 =	sor.u32 s22, s7;
	s23 =	sand.u32 $0x76, s14;
	v14 =	vor.u32 s16, v3;
	v12 =	vld [tilespmem:s4+$0xFFFFFF80]  }
0x82: {  	s26 =	simm.s32 $0x7;
	v17 =	vor.u32 s1, v3;
	s21 =	sor.u32 s23, s7;
	s0 =	sand.u32 $0x73, s8;
	v9 =	vld [tilespmem:s4+$0xFFFFFF40]  }
0x83: {  	s29 =	simm.s32 $0x1;
	s18 =	sand.u32 $0x7D, s9;
	v19 =	vor.u32 s21, v3;
	s19 =	sor.u32 s0, s7;
	v16 =	vld [tilespmem:s4+$0xFFFFFFC0]  }
0x84: {  	s28 =	sand.u32 $0x77, s26;
	s23 =	simm.s32 $0x2;
	v10 =	vld [tilespmem:s4+$0xFFFFFF60];
	s0 =	sor.u32 s18, s7;
	v11 =	vor.u32 s19, v3  }
0x85: {  	s5 =	sand.u32 $0x71, s29;
	s9 =	simm.s32 $0x9;
	s8 =	sand.u32 $0x72, s23;
	v15 =	vld [tilespmem:s4+$0xFFFFFFA0];
	v13 =	vor.u32 s0, v3  }
0x86: {  	s26 =	sand.u32 $0x79, s9;
	s18 =	simm.s32 $0xF;
	v18 =	vld [tilespmem:s4+$0xFFFFFFE0];
	s30 =	sor.u32 s8, s7;
	[tilespmem:v14+s20+$0x0] =	vst.idx.msk $0xffff, v12  }
0x87: {  	s14 =	sor.u32 s5, s7;
	s5 =	sor.u32 s26, s7;
	v20 =	vld [tilespmem:s4+$0x0];
	s24 =	sand.u32 $0x7F, s18;
	[tilespmem:v17+s20+$0x0] =	vst.idx.msk $0xffff, v8;
	v17 =	vor.u32 s30, v3  }
0x88: {  	s22 =	sor.u32 s24, s7;
	v12 =	vld [tilespmem:s4+$0x20];
	[tilespmem:v19+s20+$0x0] =	vst.idx.msk $0xffff, v16;
	v19 =	vor.u32 s5, v3  }
0x89: {  	v21 =	vor.u32 s22, v3;
	[tilespmem:v11+s20+$0x0] =	vst.idx.msk $0xffff, v10;
	v10 =	vld [tilespmem:s4+$0xE0]  }
0x8a: {  	v23 =	vld [tilespmem:s4+$0x60];
	s18 =	sor.u32 s28, s7;
	s28 =	simm.s32 $0xE;
	[tilespmem:v13+s20+$0x0] =	vst.idx.msk $0xffff, v6;
	v13 =	vor.u32 s14, v3  }
0x8b: {  	s9 =	simm.s32 $0x5;
	s23 =	sand.u32 $0x7E, s28;
	v11 =	vor.u32 s18, v3;
	v8 =	vld [tilespmem:s4+$0xFFFFFF90]  }
0x8c: {  	v25 =	vor.u32 s21, v4;
	s24 =	simm.s32 $0x8;
	s26 =	sor.u32 s23, s7;
	s23 =	sand.u32 $0x75, s9;
	v16 =	vld [tilespmem:s4+$0xFFFFFFD0];
	[tilespmem:v17+s20+$0x0] =	vst.idx.msk $0xffff, v9  }
0x8d: {  	s29 =	sand.u32 $0x78, s24;
	s28 =	sor.u32 s23, s7;
	v14 =	vor.u32 s19, v4;
	v22 =	vld [tilespmem:s4+$0xFFFFFF70];
	[tilespmem:v19+s20+$0x0] =	vst.idx.msk $0xffff, v12  }
0x8e: {  	s8 =	simm.s32 $0xC;
	s19 =	sor.u32 s29, s7;
	v6 =	vld [tilespmem:s4+$0x40];
	v17 =	vor.u32 s28, v3;
	[tilespmem:v21+s20+$0x0] =	vst.idx.msk $0xffff, v10  }
0x8f: {  	s3 =	sand.u32 $0x7C, s8;
	v10 =	vor.u32 s19, v3;
	[tilespmem:v13+s20+$0x0] =	vst.idx.msk $0xffff, v7;
	v7 =	vld [tilespmem:s4+$0x80]  }
0x90: {  	s3 =	sor.u32 s3, s7;
	[tilespmem:v11+s20+$0x0] =	vst.idx.msk $0xffff, v18;
	v11 =	vor.u32 s26, v3;
	v24 =	vld [tilespmem:s4+$0x30]  }
0x91: {  	v18 =	vor.u32 s3, v3;
	[tilespmem:v25+s20+$0x0] =	vst.idx.msk $0xffff, v16;
	v16 =	vld [tilespmem:s4+$0xB0]  }
0x92: {  	s23 =	simm.s32 $0xB;
	[tilespmem:v14+s20+$0x0] =	vst.idx.msk $0xffff, v22;
	v13 =	vld [tilespmem:s4+$0xFFFFFFF0]  }
0x93: {  	v21 =	vor.u32 s16, v4;
	s16 =	sand.u32 $0x7B, s23;
	v14 =	vld [tilespmem:s4+$0xFFFFFF10];
	[tilespmem:v17+s20+$0x0] =	vst.idx.msk $0xffff, v15  }
0x94: {  	v19 =	vor.u32 s22, v4;
	v12 =	vld [tilespmem:s4+$0xF0];
	s16 =	sor.u32 s16, s7;
	[tilespmem:v10+s20+$0x0] =	vst.idx.msk $0xffff, v20  }
0x95: {  	v20 =	vor.u32 s16, v3;
	[tilespmem:v11+s20+$0x0] =	vst.idx.msk $0xffff, v5;
	v10 =	vld [tilespmem:s4+$0xFFFFFF50]  }
0x96: {  	[tilespmem:v18+s20+$0x0] =	vst.idx.msk $0xffff, v7;
	v7 =	vor.u32 s5, v4;
	v11 =	vld [tilespmem:s4+$0xFFFFFF30]  }
0x97: {  	v18 =	vld [tilespmem:s4+$0xFFFFFFB0]  }
0x98: {  	s24 =	simm.s32 $0xA;
	[tilespmem:v21+s20+$0x0] =	vst.idx.msk $0xffff, v8;
	v21 =	vor.u32 s1, v4;
	v9 =	vld [tilespmem:s4+$0x10]  }
0x99: {  	s29 =	sand.u32 $0x7A, s24;
	v22 =	vor.u32 s28, v4;
	v8 =	vld [tilespmem:s4+$0x90];
	[tilespmem:v19+s20+$0x0] =	vst.idx.msk $0xffff, v12  }
0x9a: {  	s23 =	sor.u32 s29, s7;
	v17 =	vor.u32 s26, v4;
	v15 =	vld [tilespmem:s4+$0xD0];
	v19 =	vor.u32 s18, v4;
	[tilespmem:v20+s20+$0x0] =	vst.idx.msk $0xffff, v23  }
0x9b: {  	s21 =	simm.s32 $0x80;
	s22 =	simm.s32 $0xA300;
	s7 =	sshll.u32 s12, $0x1;
	v5 =	vor.u32 s0, v4;
	v20 =	vor.u32 s23, v3;
	[tilespmem:v7+s20+$0x0] =	vst.idx.msk $0xffff, v24;
	v12 =	vld [tilespmem:s4+$0x70]  }
.LBB2_6:
0x9c: {  	s0 =	sadd.s32 $0x12, s17  }
0x9d: {  	s1 =	sadd.s32 $0x1D, s17;
	v7 =	vld [tilespmem:s22+$0xC0];
	[tilespmem:v21+s20+$0x0] =	vst.idx.msk $0xffff, v14;
	s29 =	smov.u32 s17;
	s17 =	sadd.s32 $0x10, s17  }
0x9e: {  	s26 =	sand.u32 $0xC00, s21;
	s28 =	sand.u32 $0x70, s17;
	v14 =	vld [tilespmem:s22+$0xFFFFFF20];
	s18 =	sadd.s32 $0x1E, s29;
	[tilespmem:v22+s20+$0x0] =	vst.idx.msk $0xffff, v18;
	v18 =	vor.u32 s19, v4  }
0x9f: {  	s24 =	sand.u32 $0x72, s0;
	s19 =	sadd.s32 $0x15, s29;
	s0 =	sadd.s32 $0x1F, s29;
	v22 =	vor.u32 s30, v4;
	v21 =	vld [tilespmem:s22+$0xA0];
	[tilespmem:v19+s20+$0x0] =	vst.idx.msk $0xffff, v13  }
0xa0: {  	s30 =	sadd.s32 $0x13, s29;
	s28 =	sor.u32 s28, s26;
	s0 =	sand.u32 $0x7F, s0;
	v19 =	vor.u32 s14, v4;
	v13 =	vld [tilespmem:s22+$0xFFFFFF00];
	[tilespmem:v20+s20+$0x0] =	vst.idx.msk $0xffff, v6  }
0xa1: {  	v23 =	vor.u32 s23, v4;
	s5 =	sadd.s32 $0x1A, s29;
	s14 =	sand.u32 $0x73, s30;
	s30 =	sadd.s32 $0x14, s29;
	v6 =	vor.u32 s28, v3;
	v20 =	vld [tilespmem:s4+$0x50];
	[tilespmem:v17+s20+$0x0] =	vst.idx.msk $0xffff, v15  }
0xa2: {  	v24 =	vor.u32 s3, v4;
	s14 =	sor.u32 s14, s26;
	s0 =	sor.u32 s0, s26;
	s4 =	sand.u32 $0x74, s30;
	v17 =	vor.u32 s16, v4;
	v15 =	vld [tilespmem:s22+$0xFFFFFF40];
	[tilespmem:v5+s20+$0x0] =	vst.idx.msk $0xffff, v16  }
0xa3: {  	s3 =	sadd.s32 $0x16, s29;
	s1 =	sand.u32 $0x7D, s1;
	v25 =	vor.u32 s14, v3;
	s4 =	sor.u32 s4, s26;
	v16 =	vld [tilespmem:s22+$0xFFFFFF60];
	[tilespmem:v18+s20+$0x0] =	vst.idx.msk $0xffff, v9  }
0xa4: {  	s3 =	sand.u32 $0x76, s3;
	s1 =	sor.u32 s1, s26;
	s16 =	sadd.s32 $0x17, s29;
	v18 =	vor.u32 s4, v3;
	v9 =	vld [tilespmem:s22+$0xFFFFFF80];
	[tilespmem:v22+s20+$0x0] =	vst.idx.msk $0xffff, v10  }
0xa5: {  	s23 =	sadd.s32 $0x1C, s29;
	s8 =	sor.u32 s3, s26;
	s3 =	sadd.s32 $0x18, s29;
	v5 =	vor.u32 s1, v4;
	v10 =	vor.u32 s1, v3;
	v22 =	vld [tilespmem:s22+$0xFFFFFFA0];
	[tilespmem:v19+s20+$0x0] =	vst.idx.msk $0xffff, v11  }
0xa6: {  	s5 =	sand.u32 $0x7A, s5;
	s3 =	sand.u32 $0x78, s3;
	s1 =	sand.u32 $0x77, s16;
	v19 =	vor.u32 s8, v3;
	v11 =	vld [tilespmem:s22+$0xFFFFFFC0];
	[tilespmem:v23+s20+$0x0] =	vst.idx.msk $0xffff, v20  }
0xa7: {  	s16 =	sand.u32 $0x75, s19;
	s19 =	sor.u32 s3, s26;
	s1 =	sor.u32 s1, s26;
	v20 =	vld [tilespmem:s22+$0xFFFFFFE0];
	[tilespmem:v24+s20+$0x0] =	vst.idx.msk $0xffff, v8  }
0xa8: {  	s23 =	sand.u32 $0x7C, s23;
	s30 =	sor.u32 s24, s26;
	s3 =	sadd.s32 $0x11, s29;
	v23 =	vor.u32 s19, v3;
	v24 =	vor.u32 s0, v3;
	v8 =	vld [tilespmem:s22+$0x0];
	[tilespmem:v17+s20+$0x0] =	vst.idx.msk $0xffff, v12  }
0xa9: {  	s9 =	sand.u32 $0x71, s3;
	s24 =	sor.u32 s16, s26;
	s3 =	sor.u32 s23, s26;
	v12 =	vor.u32 s14, v4;
	[tilespmem:v25+s20+$0x0] =	vst.idx.msk $0xffff, v16;
	v16 =	vor.u32 s1, v3;
	v17 =	vld [tilespmem:s22+$0xE0]  }
0xaa: {  	s23 =	sor.u32 s5, s26;
	s5 =	sand.u32 $0x7E, s18;
	s14 =	sor.u32 s9, s26;
	v25 =	vor.u32 s30, v3;
	v26 =	vld [tilespmem:s22+$0xFFFFFF70];
	[tilespmem:v10+s20+$0x0] =	vst.idx.msk $0xffff, v21  }
0xab: {  	p0 =	slt.u32 s17, $0x1F0;
	s18 =	sor.u32 s5, s26;
	s9 =	sadd.s32 $0x19, s29;
	v10 =	vor.u32 s14, v3;
	[tilespmem:v18+s20+$0x0] =	vst.idx.msk $0xffff, v9;
	v9 =	vld [tilespmem:s22+$0x20]  }
0xac: {  	v27 =	vor.u32 s8, v4;
	s5 =	sand.u32 $0x79, s9;
	v21 =	vor.u32 s4, v4;
	s4 =	smov.u32 s22;
	[tilespmem:v6+s20+$0x0] =	vst.idx.msk $0xffff, v13;
	v18 =	vld [tilespmem:s22+$0xFFFFFF90]  }
0xad: {  	s5 =	sor.u32 s5, s26;
	[tilespmem:v19+s20+$0x0] =	vst.idx.msk $0xffff, v11;
	v6 =	vld [tilespmem:s22+$0x40]  }
0xae: {  	v11 =	vor.u32 s5, v3;
	v28 =	vld [tilespmem:s22+$0xFFFFFFD0];
	[tilespmem:v24+s20+$0x0] =	vst.idx.msk $0xffff, v17  }
0xaf: {  	[tilespmem:v16+s20+$0x0] =	vst.idx.msk $0xffff, v20;
	v16 =	vld [tilespmem:s22+$0x60]  }
0xb0: {  	[tilespmem:v10+s20+$0x0] =	vst.idx.msk $0xffff, v14;
	v17 =	vld [tilespmem:s22+$0x80];
	v10 =	vor.u32 s18, v3  }
0xb1: {  	[tilespmem:v12+s20+$0x0] =	vst.idx.msk $0xffff, v26;
	v13 =	vld [tilespmem:s22+$0xFFFFFFF0];
	v12 =	vor.u32 s3, v3  }
0xb2: {  	s8 =	sadd.s32 $0x1B, s29;
	v14 =	vld [tilespmem:s22+$0xFFFFFF10];
	[tilespmem:v25+s20+$0x0] =	vst.idx.msk $0xffff, v15  }
0xb3: {  	s8 =	sand.u32 $0x7B, s8;
	v15 =	vor.u32 s24, v3;
	[tilespmem:v11+s20+$0x0] =	vst.idx.msk $0xffff, v9;
	v19 =	vld [tilespmem:s22+$0xF0]  }
0xb4: {  	s16 =	sor.u32 s8, s26;
	v20 =	vor.u32 s0, v4;
	[tilespmem:v23+s20+$0x0] =	vst.idx.msk $0xffff, v8;
	v23 =	vld [tilespmem:s22+$0x30]  }
0xb5: {  	v24 =	vor.u32 s16, v3;
	v9 =	vld [tilespmem:s22+$0x10];
	[tilespmem:v10+s20+$0x0] =	vst.idx.msk $0xffff, v7  }
0xb6: {  	v10 =	vld [tilespmem:s22+$0xFFFFFF50];
	[tilespmem:v12+s20+$0x0] =	vst.idx.msk $0xffff, v17  }
0xb7: {  	v7 =	vor.u32 s5, v4;
	[tilespmem:v21+s20+$0x0] =	vst.idx.msk $0xffff, v18;
	v8 =	vld [tilespmem:s22+$0x90]  }
.Ltmp1:
0xb8: {  	v21 =	vor.u32 s28, v4;
	v11 =	vld [tilespmem:s22+$0xFFFFFF30];
	[tilespmem:v15+s20+$0x0] =	vst.idx.msk $0xffff, v22;
	(pc) =	sbr.rel @p0 .LBB2_6-.Ltmp1, $4  }
0xb9: {  	v22 =	vor.u32 s24, v4;
	v18 =	vld [tilespmem:s22+$0xFFFFFFB0];
	[tilespmem:v20+s20+$0x0] =	vst.idx.msk $0xffff, v19  }
0xba: {  	v19 =	vor.u32 s1, v4;
	[tilespmem:v24+s20+$0x0] =	vst.idx.msk $0xffff, v16;
	v15 =	vld [tilespmem:s22+$0xD0]  }
0xbb: {  	v20 =	vor.u32 s23, v3;
	[tilespmem:v27+s20+$0x0] =	vst.idx.msk $0xffff, v28;
	v12 =	vld [tilespmem:s22+$0x70]  }
0xbc: {  	s21 =	sadd.s32 $0x80, s21;
	v17 =	vor.u32 s18, v4;
	s22 =	sadd.s32 $0x200, s22;
	[tilespmem:v7+s20+$0x0] =	vst.idx.msk $0xffff, v23;
	v16 =	vld [tilespmem:s4+$0xB0]  }
0xbd: {  	_ =	sdelay $0x3  }
0xbe: {  	[tilespmem:v21+s20+$0x0] =	vst.idx.msk $0xffff, v14  }
0xbf: {  	v7 =	vor.u32 s19, v4;
	[tilespmem:v19+s20+$0x0] =	vst.idx.msk $0xffff, v13  }
0xc0: {  	v14 =	vor.u32 s30, v4;
	[tilespmem:v20+s20+$0x0] =	vst.idx.msk $0xffff, v6  }
0xc1: {  	v13 =	vor.u32 s14, v4;
	[tilespmem:v22+s20+$0x0] =	vst.idx.msk $0xffff, v18  }
0xc2: {  	v6 =	vld [tilespmem:s4+$0x50];
	v18 =	vor.u32 s23, v4;
	[tilespmem:v17+s20+$0x0] =	vst.idx.msk $0xffff, v15  }
0xc3: {  	v15 =	vor.u32 s3, v4;
	[tilespmem:v5+s20+$0x0] =	vst.idx.msk $0xffff, v16  }
0xc4: {  	[tilespmem:v7+s20+$0x0] =	vst.idx.msk $0xffff, v9  }
0xc5: {  	[tilespmem:v14+s20+$0x0] =	vst.idx.msk $0xffff, v10  }
0xc6: {  	v5 =	vor.u32 s16, v4;
	[tilespmem:v13+s20+$0x0] =	vst.idx.msk $0xffff, v11  }
0xc7: {  	s0 =	rddreg [dreg:$0xa];
	[tilespmem:v18+s20+$0x0] =	vst.idx.msk $0xffff, v6  }
0xc8: {  	s0 =	sadd.s32 s0, s7;
	[tilespmem:v15+s20+$0x0] =	vst.idx.msk $0xffff, v8  }
0xc9: {  	s0 =	sshll.u32 s0, $0x10;
	s1 =	rddreg [dreg:$0x4]  }
0xca: {  	s30 =	smov.u32 s10;
	s0 =	sor.u32 s1, s0  }
0xcb: {  	s8 =	simm.s32 $0x14000;
	p0 =	seq.s32 s12, $0x13;
	[tilespmem:v5+s20+$0x0] =	vst.idx.msk $0xffff, v12;
	s1 =	sadd.s32 s10, s0  }
0xcc: {  	[hbm4b:s1+s2] =	stream.linear.scatter [tilespmem:s20], [sflag:$0x3], $0x1000, $0x38;
	[tilespmem:$0x1A000] =	vst v63  }
0xcd: {  	s10 =	smov.u32 s6;
	s5 =	sadd.s32 s0, s6;
	s6 =	simm.s32 $0x13000  }
0xce: {  	[hbm4b:s5+s2] =	stream.linear.scatter [tilespmem:s6], [sflag:$0x3], $0x1000, $0x38;
	[tilespmem:$0x1A000] =	vst v63  }
0xcf: {  	s9 =	simm.s32 $0x15000;
	p1 =	seq.s32 @!p0 s12, $0x0;
	s7 =	sadd.s32 s0, s11  }
0xd0: {  	[hbm4b:s7+s2] =	stream.linear.scatter [tilespmem:s8], [sflag:$0x3], $0x1000, $0x38;
	[tilespmem:$0x1A000] =	vst v63  }
0xd1: {  	s0 =	sadd.s32 s0, s31;
	s6 =	smov.u32 s11;
	s11 =	simm.s32 $0x2  }
0xd2: {  	[hbm4b:s0+s2] =	stream.linear.scatter [tilespmem:s9], [sflag:$0x3], $0x1000, $0x38;
	[tilespmem:$0x1A000] =	vst v63  }
0xd3: {  	s3 =	simm.s32 @!p0 $0xA000;
	s0 =	sshll.u32 @!p0 s12, $0xA;
	_ =	swait.ge [sflag:s11], $0x4000  }
0xd4: {  	s1 =	simm.s32 @!p0 $0x200;
	s0 =	sand.u32 @!p0 $0x3FFFFC00, s0;
	[sflag:s11] =	ssyncset.done $0x0  }
0xd5: {  	s0 =	sadd.s32 @!p0 $0x5400, s0;
	s4 =	rddreg [dreg:$0x6];
	[sflag:s11] =	ssyncadd.s32 $0xFFFFC000  }
0xd6: {  	[tilespmem:s3], [sflag:$0x1] =	stream.indirect.gather @!p0 [hbm4b:s4+s1], $0x20, s0, s1, $0xb8;
	[tilespmem:$0x1A000] =	vst v63  }
0xd7: {  	p0 =	por p0, !p1  }
0xd8: {  	s0 =	simm.s32 @p0 $0x4  }
0xd9: {  	_ =	swait.ge @p0 [sflag:s0], $0x1000  }
0xda: {  	[sflag:s0] =	ssyncset.done @p0 $0x0  }
0xdb: {  	[sflag:s0] =	ssyncadd.s32 @p0 $0xFFFFF000  }
0xdc: {  	_ =	swait.ge @p0 [sflag:s0], $0x1000  }
0xdd: {  	[sflag:s0] =	ssyncset.done @p0 $0x0  }
0xde: {  	[sflag:s0] =	ssyncadd.s32 @p0 $0xFFFFF000  }
0xdf: {  	_ =	swait.ge @p0 [sflag:s0], $0x1000  }
0xe0: {  	[sflag:s0] =	ssyncset.done @p0 $0x0  }
0xe1: {  	[sflag:s0] =	ssyncadd.s32 @p0 $0xFFFFF000  }
0xe2: {  	_ =	swait.ge @p0 [sflag:s0], $0x1000  }
0xe3: {  	[sflag:s0] =	ssyncset.done @p0 $0x0  }
0xe4: {  	s4 =	simm.s32 $0xE100;
	[sflag:s0] =	ssyncadd.s32 @p0 $0xFFFFF000  }
0xe5: {  	v5 =	vld [tilespmem:s4+$0xC0]  }
0xe6: {  	v7 =	vld [tilespmem:s4+$0xFFFFFF20]  }
0xe7: {  	v6 =	vld [tilespmem:s4+$0xA0]  }
0xe8: {  	s14 =	simm.s32 $0x0;
	s16 =	simm.s32 $0x3;
	v8 =	vld [tilespmem:s4+$0xFFFFFF00]  }
0xe9: {  	s17 =	simm.s32 $0xD;
	s19 =	sand.u32 $0xC00, s14;
	s18 =	sand.u32 $0x73, s16;
	v9 =	vld [tilespmem:s4+$0xFFFFFF40]  }
0xea: {  	s21 =	simm.s32 $0x4;
	s22 =	sand.u32 $0x7D, s17;
	s5 =	sor.u32 s18, s19;
	v10 =	vld [tilespmem:s4+$0xFFFFFF60]  }
0xeb: {  	s17 =	simm.s32 $0x0;
	v11 =	vor.u32 s5, v3;
	s1 =	sand.u32 $0x74, s21;
	s0 =	sor.u32 s22, s19;
	v12 =	vld [tilespmem:s4+$0xFFFFFF80]  }
0xec: {  	s24 =	simm.s32 $0x6;
	s23 =	sand.u32 $0x70, s17;
	s16 =	sor.u32 s1, s19;
	v15 =	vld [tilespmem:s4+$0xFFFFFFA0];
	v13 =	vor.u32 s0, v3  }
0xed: {  	s26 =	sand.u32 $0x76, s24;
	s8 =	simm.s32 $0xF;
	s1 =	sor.u32 s23, s19;
	v14 =	vor.u32 s16, v3;
	v16 =	vld [tilespmem:s4+$0xFFFFFFC0]  }
0xee: {  	s29 =	simm.s32 $0x7;
	s28 =	sand.u32 $0x7F, s8;
	v17 =	vor.u32 s1, v3;
	s22 =	sor.u32 s26, s19;
	v18 =	vld [tilespmem:s4+$0xFFFFFFE0]  }
0xef: {  	s7 =	sand.u32 $0x77, s29;
	s8 =	simm.s32 $0x1;
	s23 =	sor.u32 s28, s19;
	v19 =	vor.u32 s22, v3;
	v20 =	vld [tilespmem:s4+$0x0]  }
0xf0: {  	s18 =	sor.u32 s7, s19;
	s9 =	sand.u32 $0x71, s8;
	s11 =	simm.s32 $0x2;
	v21 =	vor.u32 s23, v3;
	[tilespmem:v11+s25+$0x0] =	vst.idx.msk $0xffff, v10;
	v10 =	vld [tilespmem:s4+$0xE0]  }
0xf1: {  	s7 =	sor.u32 s9, s19;
	s14 =	sand.u32 $0x72, s11;
	v23 =	vld [tilespmem:s4+$0x60];
	v11 =	vor.u32 s18, v3;
	[tilespmem:v13+s25+$0x0] =	vst.idx.msk $0xffff, v6  }
0xf2: {  	s21 =	simm.s32 $0x9;
	s14 =	sor.u32 s14, s19;
	v13 =	vor.u32 s7, v3;
	[tilespmem:v14+s25+$0x0] =	vst.idx.msk $0xffff, v12;
	v12 =	vld [tilespmem:s4+$0x20]  }
0xf3: {  	s24 =	sand.u32 $0x79, s21;
	[tilespmem:v17+s25+$0x0] =	vst.idx.msk $0xffff, v8;
	v17 =	vor.u32 s14, v3;
	v6 =	vld [tilespmem:s4+$0x40]  }
0xf4: {  	s9 =	simm.s32 $0x8;
	s29 =	sor.u32 s24, s19;
	v14 =	vor.u32 s5, v4;
	[tilespmem:v19+s25+$0x0] =	vst.idx.msk $0xffff, v16;
	v22 =	vld [tilespmem:s4+$0xFFFFFF70]  }
0xf5: {  	s28 =	sand.u32 $0x78, s9;
	s26 =	simm.s32 $0xE;
	v19 =	vor.u32 s29, v3;
	v8 =	vld [tilespmem:s4+$0xFFFFFF90];
	[tilespmem:v21+s25+$0x0] =	vst.idx.msk $0xffff, v10  }
0xf6: {  	s11 =	simm.s32 $0xC;
	s21 =	sor.u32 s28, s19;
	v25 =	vor.u32 s22, v4;
	s5 =	sand.u32 $0x7E, s26;
	v16 =	vld [tilespmem:s4+$0xFFFFFFD0];
	[tilespmem:v11+s25+$0x0] =	vst.idx.msk $0xffff, v18  }
0xf7: {  	s3 =	sand.u32 $0x7C, s11;
	s5 =	sor.u32 s5, s19;
	v10 =	vor.u32 s21, v3;
	[tilespmem:v13+s25+$0x0] =	vst.idx.msk $0xffff, v7;
	v7 =	vld [tilespmem:s4+$0x80]  }
0xf8: {  	s24 =	simm.s32 $0x5;
	s3 =	sor.u32 s3, s19;
	v11 =	vor.u32 s5, v3;
	[tilespmem:v17+s25+$0x0] =	vst.idx.msk $0xffff, v9;
	v13 =	vld [tilespmem:s4+$0xFFFFFFF0]  }
0xf9: {  	s8 =	sand.u32 $0x75, s24;
	v18 =	vor.u32 s3, v3;
	[tilespmem:v14+s25+$0x0] =	vst.idx.msk $0xffff, v22;
	v14 =	vld [tilespmem:s4+$0xFFFFFF10]  }
0xfa: {  	s8 =	sor.u32 s8, s19;
	s26 =	simm.s32 $0xB;
	v21 =	vor.u32 s16, v4;
	[tilespmem:v19+s25+$0x0] =	vst.idx.msk $0xffff, v12;
	v12 =	vld [tilespmem:s4+$0xF0]  }
0xfb: {  	v17 =	vor.u32 s8, v3;
	s16 =	sand.u32 $0x7B, s26;
	v24 =	vld [tilespmem:s4+$0x30];
	[tilespmem:v25+s25+$0x0] =	vst.idx.msk $0xffff, v16  }
0xfc: {  	v19 =	vor.u32 s23, v4;
	s16 =	sor.u32 s16, s19;
	v16 =	vld [tilespmem:s4+$0xB0];
	[tilespmem:v10+s25+$0x0] =	vst.idx.msk $0xffff, v20  }
0xfd: {  	v20 =	vor.u32 s16, v3;
	[tilespmem:v11+s25+$0x0] =	vst.idx.msk $0xffff, v5;
	v10 =	vld [tilespmem:s4+$0xFFFFFF50]  }
0xfe: {  	[tilespmem:v18+s25+$0x0] =	vst.idx.msk $0xffff, v7;
	v7 =	vor.u32 s29, v4;
	v11 =	vld [tilespmem:s4+$0xFFFFFF30]  }
0xff: {  	[tilespmem:v21+s25+$0x0] =	vst.idx.msk $0xffff, v8;
	v9 =	vld [tilespmem:s4+$0x10]  }
0x100: {  	s28 =	simm.s32 $0xA;
	[tilespmem:v17+s25+$0x0] =	vst.idx.msk $0xffff, v15;
	v21 =	vor.u32 s1, v4;
	v8 =	vld [tilespmem:s4+$0x90]  }
0x101: {  	v22 =	vor.u32 s8, v4;
	s29 =	sand.u32 $0x7A, s28;
	v18 =	vld [tilespmem:s4+$0xFFFFFFB0];
	[tilespmem:v19+s25+$0x0] =	vst.idx.msk $0xffff, v12  }
0x102: {  	v5 =	vor.u32 s0, v4;
	v15 =	vld [tilespmem:s4+$0xD0];
	s23 =	sor.u32 s29, s19;
	[tilespmem:v20+s25+$0x0] =	vst.idx.msk $0xffff, v23;
	v20 =	vor.u32 s18, v4  }
0x103: {  	s22 =	simm.s32 $0xE300;
	v17 =	vor.u32 s5, v4;
	s19 =	simm.s32 $0x80;
	v19 =	vor.u32 s23, v3;
	[tilespmem:v7+s25+$0x0] =	vst.idx.msk $0xffff, v24;
	v12 =	vld [tilespmem:s4+$0x70]  }
.LBB2_8:
0x104: {  	s0 =	sadd.s32 $0x12, s17  }
0x105: {  	s1 =	sadd.s32 $0x1D, s17;
	v7 =	vld [tilespmem:s22+$0xC0];
	[tilespmem:v21+s25+$0x0] =	vst.idx.msk $0xffff, v14;
	s29 =	smov.u32 s17;
	s17 =	sadd.s32 $0x10, s17  }
0x106: {  	s26 =	sand.u32 $0xC00, s19;
	s5 =	sand.u32 $0x70, s17;
	v14 =	vld [tilespmem:s22+$0xFFFFFF20];
	s18 =	sadd.s32 $0x1E, s29;
	[tilespmem:v22+s25+$0x0] =	vst.idx.msk $0xffff, v18;
	v18 =	vor.u32 s21, v4  }
0x107: {  	s24 =	sand.u32 $0x72, s0;
	s8 =	sadd.s32 $0x15, s29;
	s0 =	sadd.s32 $0x1F, s29;
	v22 =	vor.u32 s14, v4;
	v21 =	vld [tilespmem:s22+$0xA0];
	[tilespmem:v20+s25+$0x0] =	vst.idx.msk $0xffff, v13  }
0x108: {  	s28 =	sor.u32 s5, s26;
	s5 =	sadd.s32 $0x13, s29;
	s0 =	sand.u32 $0x7F, s0;
	v20 =	vor.u32 s7, v4;
	v13 =	vld [tilespmem:s22+$0xFFFFFF00];
	[tilespmem:v19+s25+$0x0] =	vst.idx.msk $0xffff, v6  }
0x109: {  	v23 =	vor.u32 s23, v4;
	s9 =	sadd.s32 $0x1A, s29;
	s7 =	sadd.s32 $0x14, s29;
	v6 =	vor.u32 s28, v3;
	s5 =	sand.u32 $0x73, s5;
	v19 =	vld [tilespmem:s4+$0x50];
	[tilespmem:v17+s25+$0x0] =	vst.idx.msk $0xffff, v15  }
0x10a: {  	v24 =	vor.u32 s3, v4;
	s0 =	sor.u32 s0, s26;
	s5 =	sor.u32 s5, s26;
	s4 =	sand.u32 $0x74, s7;
	v17 =	vor.u32 s16, v4;
	v15 =	vld [tilespmem:s22+$0xFFFFFF40];
	[tilespmem:v5+s25+$0x0] =	vst.idx.msk $0xffff, v16  }
0x10b: {  	s3 =	sadd.s32 $0x16, s29;
	s1 =	sand.u32 $0x7D, s1;
	v25 =	vor.u32 s5, v3;
	s4 =	sor.u32 s4, s26;
	v16 =	vld [tilespmem:s22+$0xFFFFFF60];
	[tilespmem:v18+s25+$0x0] =	vst.idx.msk $0xffff, v9  }
0x10c: {  	s3 =	sand.u32 $0x76, s3;
	s1 =	sor.u32 s1, s26;
	s7 =	sadd.s32 $0x17, s29;
	v18 =	vor.u32 s4, v3;
	v9 =	vld [tilespmem:s22+$0xFFFFFF80];
	[tilespmem:v22+s25+$0x0] =	vst.idx.msk $0xffff, v10  }
0x10d: {  	s23 =	sadd.s32 $0x1C, s29;
	s16 =	sor.u32 s3, s26;
	s3 =	sadd.s32 $0x18, s29;
	v5 =	vor.u32 s1, v4;
	v10 =	vor.u32 s1, v3;
	v22 =	vld [tilespmem:s22+$0xFFFFFFA0];
	[tilespmem:v20+s25+$0x0] =	vst.idx.msk $0xffff, v11  }
0x10e: {  	s9 =	sand.u32 $0x7A, s9;
	s3 =	sand.u32 $0x78, s3;
	s1 =	sand.u32 $0x77, s7;
	v20 =	vor.u32 s16, v3;
	v11 =	vld [tilespmem:s22+$0xFFFFFFC0];
	[tilespmem:v23+s25+$0x0] =	vst.idx.msk $0xffff, v19  }
0x10f: {  	s21 =	sor.u32 s3, s26;
	s7 =	sand.u32 $0x75, s8;
	s1 =	sor.u32 s1, s26;
	v19 =	vld [tilespmem:s22+$0xFFFFFFE0];
	[tilespmem:v24+s25+$0x0] =	vst.idx.msk $0xffff, v8  }
0x110: {  	s14 =	sor.u32 s24, s26;
	s3 =	sadd.s32 $0x11, s29;
	s8 =	sand.u32 $0x7C, s23;
	v23 =	vor.u32 s21, v3;
	v24 =	vor.u32 s0, v3;
	v8 =	vld [tilespmem:s22+$0x0];
	[tilespmem:v17+s25+$0x0] =	vst.idx.msk $0xffff, v12  }
0x111: {  	s23 =	sand.u32 $0x71, s3;
	s24 =	sor.u32 s7, s26;
	s3 =	sor.u32 s8, s26;
	v12 =	vor.u32 s5, v4;
	[tilespmem:v25+s25+$0x0] =	vst.idx.msk $0xffff, v16;
	v16 =	vor.u32 s1, v3;
	v17 =	vld [tilespmem:s22+$0xE0]  }
0x112: {  	s7 =	sor.u32 s23, s26;
	s23 =	sor.u32 s9, s26;
	s5 =	sand.u32 $0x7E, s18;
	v25 =	vor.u32 s14, v3;
	v26 =	vld [tilespmem:s22+$0xFFFFFF70];
	[tilespmem:v10+s25+$0x0] =	vst.idx.msk $0xffff, v21  }
0x113: {  	p0 =	slt.u32 s17, $0x1F0;
	s8 =	sadd.s32 $0x19, s29;
	s18 =	sor.u32 s5, s26;
	v10 =	vor.u32 s7, v3;
	[tilespmem:v18+s25+$0x0] =	vst.idx.msk $0xffff, v9;
	v9 =	vld [tilespmem:s22+$0x20]  }
0x114: {  	v27 =	vor.u32 s16, v4;
	s5 =	sand.u32 $0x79, s8;
	v21 =	vor.u32 s4, v4;
	s4 =	smov.u32 s22;
	[tilespmem:v6+s25+$0x0] =	vst.idx.msk $0xffff, v13;
	v18 =	vld [tilespmem:s22+$0xFFFFFF90]  }
0x115: {  	s5 =	sor.u32 s5, s26;
	[tilespmem:v20+s25+$0x0] =	vst.idx.msk $0xffff, v11;
	v6 =	vld [tilespmem:s22+$0x40]  }
0x116: {  	v11 =	vor.u32 s5, v3;
	v28 =	vld [tilespmem:s22+$0xFFFFFFD0];
	[tilespmem:v24+s25+$0x0] =	vst.idx.msk $0xffff, v17  }
0x117: {  	[tilespmem:v16+s25+$0x0] =	vst.idx.msk $0xffff, v19;
	v16 =	vld [tilespmem:s22+$0x60]  }
0x118: {  	[tilespmem:v10+s25+$0x0] =	vst.idx.msk $0xffff, v14;
	v17 =	vld [tilespmem:s22+$0x80];
	v10 =	vor.u32 s18, v3  }
0x119: {  	[tilespmem:v12+s25+$0x0] =	vst.idx.msk $0xffff, v26;
	v13 =	vld [tilespmem:s22+$0xFFFFFFF0];
	v12 =	vor.u32 s3, v3  }
0x11a: {  	s8 =	sadd.s32 $0x1B, s29;
	v14 =	vld [tilespmem:s22+$0xFFFFFF10];
	[tilespmem:v25+s25+$0x0] =	vst.idx.msk $0xffff, v15  }
0x11b: {  	s8 =	sand.u32 $0x7B, s8;
	v15 =	vor.u32 s24, v3;
	[tilespmem:v11+s25+$0x0] =	vst.idx.msk $0xffff, v9;
	v19 =	vld [tilespmem:s22+$0xF0]  }
0x11c: {  	s16 =	sor.u32 s8, s26;
	v20 =	vor.u32 s0, v4;
	[tilespmem:v23+s25+$0x0] =	vst.idx.msk $0xffff, v8;
	v23 =	vld [tilespmem:s22+$0x30]  }
0x11d: {  	v24 =	vor.u32 s16, v3;
	v9 =	vld [tilespmem:s22+$0x10];
	[tilespmem:v10+s25+$0x0] =	vst.idx.msk $0xffff, v7  }
0x11e: {  	v10 =	vld [tilespmem:s22+$0xFFFFFF50];
	[tilespmem:v12+s25+$0x0] =	vst.idx.msk $0xffff, v17  }
0x11f: {  	v7 =	vor.u32 s5, v4;
	[tilespmem:v21+s25+$0x0] =	vst.idx.msk $0xffff, v18;
	v8 =	vld [tilespmem:s22+$0x90]  }
.Ltmp2:
0x120: {  	v21 =	vor.u32 s28, v4;
	v11 =	vld [tilespmem:s22+$0xFFFFFF30];
	[tilespmem:v15+s25+$0x0] =	vst.idx.msk $0xffff, v22;
	(pc) =	sbr.rel @p0 .LBB2_8-.Ltmp2, $4  }
0x121: {  	v22 =	vor.u32 s24, v4;
	v18 =	vld [tilespmem:s22+$0xFFFFFFB0];
	[tilespmem:v20+s25+$0x0] =	vst.idx.msk $0xffff, v19  }
0x122: {  	v20 =	vor.u32 s1, v4;
	[tilespmem:v24+s25+$0x0] =	vst.idx.msk $0xffff, v16;
	v15 =	vld [tilespmem:s22+$0xD0]  }
0x123: {  	v19 =	vor.u32 s23, v3;
	[tilespmem:v27+s25+$0x0] =	vst.idx.msk $0xffff, v28;
	v12 =	vld [tilespmem:s22+$0x70]  }
0x124: {  	s19 =	sadd.s32 $0x80, s19;
	v17 =	vor.u32 s18, v4;
	s22 =	sadd.s32 $0x200, s22;
	[tilespmem:v7+s25+$0x0] =	vst.idx.msk $0xffff, v23;
	v16 =	vld [tilespmem:s4+$0xB0]  }
0x125: {  	_ =	sdelay $0x3  }
0x126: {  	[tilespmem:v21+s25+$0x0] =	vst.idx.msk $0xffff, v14  }
0x127: {  	v7 =	vor.u32 s21, v4;
	[tilespmem:v20+s25+$0x0] =	vst.idx.msk $0xffff, v13  }
0x128: {  	v60 =	vor.u32 s14, v4;
	[tilespmem:v19+s25+$0x0] =	vst.idx.msk $0xffff, v6  }
0x129: {  	v61 =	vor.u32 s7, v4;
	[tilespmem:v22+s25+$0x0] =	vst.idx.msk $0xffff, v18  }
0x12a: {  	v62 =	vor.u32 s23, v4;
	v6 =	vld [tilespmem:s4+$0x50];
	[tilespmem:v17+s25+$0x0] =	vst.idx.msk $0xffff, v15  }
0x12b: {  	v63 =	vor.u32 s3, v4;
	[tilespmem:v5+s25+$0x0] =	vst.idx.msk $0xffff, v16  }
0x12c: {  	[tilespmem:v7+s25+$0x0] =	vst.idx.msk $0xffff, v9  }
0x12d: {  	[tilespmem:v60+s25+$0x0] =	vst.idx.msk $0xffff, v10  }
0x12e: {  	v5 =	vor.u32 s16, v4;
	[tilespmem:v61+s25+$0x0] =	vst.idx.msk $0xffff, v11  }
0x12f: {  	s0 =	rddreg [dreg:$0xa];
	[tilespmem:v62+s25+$0x0] =	vst.idx.msk $0xffff, v6  }
0x130: {  	[tilespmem:v63+s25+$0x0] =	vst.idx.msk $0xffff, v8;
	s0 =	sadd.s32 s0, s13  }
0x131: {  	s1 =	rddreg [dreg:$0x4];
	s0 =	sshll.u32 s0, $0x10  }
0x132: {  	s0 =	sor.u32 s1, s0  }
0x133: {  	s12 =	sadd.s32 $0x1, s12;
	[tilespmem:v5+s25+$0x0] =	vst.idx.msk $0xffff, v12;
	s1 =	sadd.s32 s30, s0  }
0x134: {  	[hbm4b:s1+s2] =	stream.linear.scatter [tilespmem:s25], [sflag:$0x4], $0x1000, $0x38;
	[tilespmem:$0x1A000] =	vst v63  }
0x135: {  	s24 =	simm.s32 $0x17000;
	p0 =	sne.s32 s12, $0x14;
	s23 =	sadd.s32 s0, s10  }
0x136: {  	[hbm4b:s23+s2] =	stream.linear.scatter [tilespmem:s24], [sflag:$0x4], $0x1000, $0x38;
	[tilespmem:$0x1A000] =	vst v63  }
.Ltmp3:
0x137: {  	_ = 	snop;
	(pc) =	sbr.rel @p0 .LBB2_5-.Ltmp3, $4  }
0x138: {  	s28 =	simm.s32 $0x18000;
	s26 =	sadd.s32 s0, s6  }
0x139: {  	[hbm4b:s26+s2] =	stream.linear.scatter [tilespmem:s28], [sflag:$0x4], $0x1000, $0x38;
	[tilespmem:$0x1A000] =	vst v63  }
0x13a: {  	s29 =	simm.s32 $0x19000;
	s0 =	sadd.s32 s0, s31  }
0x13b: {  	[hbm4b:s0+s2] =	stream.linear.scatter [tilespmem:s29], [sflag:$0x4], $0x1000, $0x38;
	[tilespmem:$0x1A000] =	vst v63  }
0x13c: {  	s0 =	simm.s32 $0x3  }
0x13d: {  	_ =	swait.ge [sflag:s0], $0x1000  }
0x13e: {  	[sflag:s0] =	ssyncset.done $0x0  }
0x13f: {  	[sflag:s0] =	ssyncadd.s32 $0xFFFFF000  }
0x140: {  	_ =	swait.ge [sflag:s0], $0x1000  }
0x141: {  	[sflag:s0] =	ssyncset.done $0x0  }
0x142: {  	[sflag:s0] =	ssyncadd.s32 $0xFFFFF000  }
0x143: {  	_ =	swait.ge [sflag:s0], $0x1000  }
0x144: {  	[sflag:s0] =	ssyncset.done $0x0  }
0x145: {  	[sflag:s0] =	ssyncadd.s32 $0xFFFFF000  }
0x146: {  	_ =	swait.ge [sflag:s0], $0x1000  }
0x147: {  	[sflag:s0] =	ssyncset.done $0x0  }
0x148: {  	s29 =	simm.s32 $0x4;
	[sflag:s0] =	ssyncadd.s32 $0xFFFFF000  }
0x149: {  	_ =	swait.ge [sflag:s29], $0x1000  }
0x14a: {  	[sflag:s29] =	ssyncset.done $0x0  }
0x14b: {  	[sflag:s29] =	ssyncadd.s32 $0xFFFFF000  }
0x14c: {  	_ =	swait.ge [sflag:s29], $0x1000  }
0x14d: {  	[sflag:s29] =	ssyncset.done $0x0  }
0x14e: {  	[sflag:s29] =	ssyncadd.s32 $0xFFFFF000  }
0x14f: {  	_ =	swait.ge [sflag:s29], $0x1000  }
0x150: {  	[sflag:s29] =	ssyncset.done $0x0  }
0x151: {  	[sflag:s29] =	ssyncadd.s32 $0xFFFFF000  }
0x152: {  	_ =	swait.ge [sflag:s29], $0x1000  }
0x153: {  	s5 =	rddreg [dreg:$0x9]  }
0x154: {  	s5 =	sadd.s32 $0x1, s5  }
0x155: {  	p0 =	sne.s32 s5, $0x5  }
.Ltmp4:
0x156: {  	_ = 	snop;
	(pc) =	sbr.rel @p0 .LBB2_2-.Ltmp4, $3  }
0x157: {  	_ =	sdelay $0x1  }
0x158: {  	[sflag:s29] =	ssyncset.done $0x0  }
0x159: {  	[sflag:s29] =	ssyncadd.s32 $0xFFFFF000  }
0x15a: {  	s1 =	rddreg [dreg:$0x8]  }
0x15b: {  	s0 =	rddreg [dreg:$0x7];
	s1 =	sadd.s32 $0x1, s1  }
0x15c: {  	p0 =	sne.s32 s1, s0  }
.Ltmp5:
0x15d: {  	_ = 	snop;
	(pc) =	sbr.rel @p0 .LBB2_1-.Ltmp5, $1  }
0x15e: {  	_ =	sdelay $0x3  }
0x15f: {  	_ =	sfence.sel $0x180000  }
0x160: {  	[bflag:$0x0] =	sbarrier.arrive $0xFFFF  }
0x161: {  	_ =	strace $0x90000047  }
0x162: {  	s0 =	stileid.u32;
	[bflag:$0x2] =	sbarrier.arrive $0xFFFF  }
0x163: {  	p0 =	sne.s32 s0, $0x0;
	s0 =	rddreg [dreg:$0x2]  }
0x164: {  	s0 =	sadd.s32 @!p0 $0x100000, s0  }
0x165: {  	[sflag:s0] =	ssyncadd.tile.s32 @!p0 $0x1;
	_ =	shalt  }
.Lfunc_end2:
_tile_overlayer_lowered:
.L_overlay_start_2:
0x166: {  	(tag) =	ssettag $0x2  }
0x167: {  	s0 =	rddreg [dreg:$0x0];
	s2 =	stileid.u32  }
0x168: {  	s1 =	rddreg [dreg:$0x1];
	p0 =	sne.s32 s2, $0x0  }
0x169: {  	s3 =	rddreg [dreg:$0x2];
	[bflag:$0x3] =	sbarrier.arrive $0xFFFF;
	s2 =	simm.s32 @!p0 $0x1C05  }
0x16a: {  	[timem:s3], [sflag:s2] =	dma.local @!p0 [hbm:s0], s1  }
0x16b: {  	s0 =	simm.s32 @!p0 $0x5  }
0x16c: {  	_ =	swait.ge @!p0 [sflag:s0], s1  }
0x16d: {  	s1 =	ssub.s32 @!p0 $0x0, s1;
	[sflag:s0] =	ssyncset.done @!p0 $0x0  }
0x16e: {  	[sflag:s0] =	ssyncadd.s32 @!p0 s1  }
0x16f: {  	[bflag:$0x3] =	sbarrier.arrive $0xFFFF  }
0x170: {  	_ =	shalt  }

</sc_bundles>
